<compile_context>
chip_gen: v7x
topology: tpu7x:2x2x1
jax: 0.10.2.dev20260603
libtpu: 0.0.44.dev20260713+nightly
codegen_flags: <defaults>
</compile_context>

<pallas_src>
import functools

import jax
import jax.numpy as jnp
from jax import lax
from jax.experimental import pallas as pl
from jax.experimental.pallas import tpu as pltpu
from jax.experimental.pallas import tpu_sc as plsc

_NE = 1024
_D = 64
_BETA = 0.25
_N = 128 * 576

_TOK_BLOCK = 8192
_G = _N // _TOK_BLOCK

_NC = 2
_NS = 16
_NW = _NC * _NS
_ROWS_PER_W = _N // _NW
_CHUNK = 128
_NCHUNK = _ROWS_PER_W // _CHUNK
_NBUF = 4


def _argmin_body(x_ref, e_ref, idx_ref, loss_ref):
    x = x_ref[...]
    e = e_ref[...]
    e2 = jnp.sum(e * e, axis=1, keepdims=True)
    x2 = jnp.sum(x * x, axis=1)
    es = e * (-2.0)
    prod = lax.dot_general(es, x, (((1,), (1,)), ((), ())),
                           preferred_element_type=jnp.float32)
    dist = prod + e2
    minval = jnp.min(dist, axis=0, keepdims=True)
    ids = lax.broadcasted_iota(jnp.int32, dist.shape, 0)
    idx = jnp.min(jnp.where(dist == minval, ids, _NE), axis=0)
    idx_ref[...] = idx.reshape(_TOK_BLOCK // 128, 128)

    @pl.when(pl.program_id(0) == 0)
    def _():
        loss_ref[...] = jnp.zeros((1, 1), jnp.float32)

    loss_ref[...] += (jnp.sum(minval) + jnp.sum(x2)).reshape(1, 1)


_argmin_call = pl.pallas_call(
    _argmin_body,
    grid=(_G,),
    in_specs=[
        pl.BlockSpec((_TOK_BLOCK, _D), lambda i: (i, 0)),
        pl.BlockSpec((_NE, _D), lambda i: (0, 0)),
    ],
    out_specs=[
        pl.BlockSpec((_TOK_BLOCK // 128, 128), lambda i: (i, 0)),
        pl.BlockSpec((1, 1), lambda i: (0, 0)),
    ],
    out_shape=[
        jax.ShapeDtypeStruct((_N // 128, 128), jnp.int32),
        jax.ShapeDtypeStruct((1, 1), jnp.float32),
    ],
)


@functools.cache
def _make_gather_sc():
    def body(emb_hbm, idx3_hbm, out_hbm, idx_v, rows_v, gsem, ssem):
        wid = lax.axis_index("s") * _NC + lax.axis_index("c")
        base = wid * _ROWS_PER_W
        pltpu.sync_copy(idx3_hbm.at[pl.ds(wid * _NCHUNK, _NCHUNK)], idx_v)

        def gather(c):
            return pltpu.async_copy(
                emb_hbm.at[idx_v.at[c]], rows_v.at[c % _NBUF], gsem)

        def scatter(c):
            return pltpu.async_copy(
                rows_v.at[c % _NBUF],
                out_hbm.at[pl.ds(base + c * _CHUNK, _CHUNK)], ssem)

        gh = [None] * _NCHUNK
        sh = [None] * _NCHUNK
        for c in range(min(_NBUF - 1, _NCHUNK)):
            gh[c] = gather(c)
        for c in range(_NCHUNK):
            nxt = c + _NBUF - 1
            if nxt < _NCHUNK:
                if c >= 1:
                    sh[c - 1].wait()
                gh[nxt] = gather(nxt)
            gh[c].wait()
            sh[c] = scatter(c)
        for c in range(max(0, _NCHUNK - _NBUF + 1), _NCHUNK):
            sh[c].wait()

    return pl.kernel(
        body,
        out_type=jax.ShapeDtypeStruct((_N, _D), jnp.float32),
        mesh=plsc.VectorSubcoreMesh(core_axis_name="c", subcore_axis_name="s"),
        compiler_params=pltpu.CompilerParams(use_tc_tiling_on_sc=False),
        scratch_types=[
            pltpu.VMEM((_NCHUNK, _CHUNK), jnp.int32),
            pltpu.VMEM((_NBUF, _CHUNK, _D), jnp.float32),
            pltpu.SemaphoreType.DMA,
            pltpu.SemaphoreType.DMA,
        ],
    )


def kernel(z_e, embedding):
    flat = z_e.reshape(_N, _D)
    idx2, loss_acc = _argmin_call(flat, embedding)
    z_q = _make_gather_sc()(embedding, idx2)
    loss = loss_acc[0, 0] * ((1.0 + _BETA) / (_N * _D))
    return z_q.reshape(z_e.shape), loss

# --- scband reference (transcript-rebuilt; emitter-appended) ---
"""Pipeline reference for scband-vector-quantizer-ema-79001628443368 (READ-ONLY COPY).

The authoritative reference and input builder live on the scoring server;
editing this copy changes nothing except your own understanding.
"""

import jax, jax.numpy as jnp
import numpy as np

NUM_EMBEDDINGS = 1024
EMBEDDING_DIM = 64
BETA = 0.25

def setup_inputs(seed: int = 0) -> dict:
    key = jax.random.key(seed)
    k1, k2 = jax.random.split(key)
    z_e = jax.random.normal(k1, (128, 576, 64), dtype=jnp.float32)
    embedding = jax.random.normal(k2, (NUM_EMBEDDINGS, EMBEDDING_DIM), dtype=jnp.float32)
    return {"z_e": z_e, "embedding": embedding}

def reference(z_e, embedding):
    # eval-mode forward of VectorQuantizerEMA (no EMA buffer updates)
    flat = z_e.reshape(-1, EMBEDDING_DIM)
    dist = (jnp.sum(flat ** 2, axis=1, keepdims=True)
            - 2.0 * flat @ embedding.T
            + jnp.sum(embedding ** 2, axis=1))
    encoding_indices = jnp.argmin(dist, axis=1)
    z_q = jnp.take(embedding, encoding_indices, axis=0).reshape(z_e.shape)
    loss_vq = (jnp.mean((jax.lax.stop_gradient(z_q) - z_e) ** 2)
               + BETA * jnp.mean((z_q - jax.lax.stop_gradient(z_e)) ** 2))
    z_q_st = z_e + jax.lax.stop_gradient(z_q - z_e)
    return (z_q_st, loss_vq)

if __name__ == "__main__":
    import jax
    _d = setup_inputs()
    print(jax.jit(kernel)(*tuple(_d.values())))

</pallas_src>

<mosaic_0001>
#map = affine_map<(d0, d1) -> (0, 0)>
module attributes {stable_mosaic.version = 14 : i64} {
  func.func @body(%arg0: i32, %arg1: i32, %arg2: memref<1024x64xf32, #tpu.memory_space<hbm>>, %arg3: memref<576x128xi32, #tpu.memory_space<hbm>>, %arg4: memref<73728x64xf32, #tpu.memory_space<hbm>>, %arg5: memref<18x128xi32, #tpu.memory_space<vmem>>, %arg6: memref<4x128x64xf32, #tpu.memory_space<vmem>>, %arg7: memref<!tpu.dma_semaphore, #tpu.memory_space<semaphore_mem>>, %arg8: memref<!tpu.dma_semaphore, #tpu.memory_space<semaphore_mem>>) attributes {dimension_semantics = [#tpu.dimension_semantics<core_parallel>, #tpu.dimension_semantics<subcore_parallel>], iteration_bounds = array<i64: 2, 16>, scalar_prefetch = 0 : i64, scratch_operands = 4 : i64, tpu.core_type = #tpu.core_type<sc_vector_subcore>, window_params = [{transform_indices = #map}, {transform_indices = #map}, {transform_indices = #map}]} {
    %mul3A = arith.constant 2 : i32
    %mul3A_0 = arith.muli %arg1, %mul3A : i32
    %add3A = arith.addi %mul3A_0, %arg0 : i32
    %mul3A_1 = arith.constant 2304 : i32
    %mul3A_2 = arith.muli %add3A, %mul3A_1 : i32
    %mul3A_3 = arith.constant 18 : i32
    %mul3A_4 = arith.muli %add3A, %mul3A_3 : i32
    "tpu.region"() ({
      %run_scoped3A = tpu.sem_alloc : memref<!tpu.dma_semaphore, #tpu.memory_space<semaphore_mem>>
      %dma_start3A_926 = arith.constant 0 : i32
      %dma_start3A_927 = tpu.memref_slice %arg3[%mul3A_4, %dma_start3A_926] : memref<576x128xi32, #tpu.memory_space<hbm>> -> memref<18x128xi32, #tpu.memory_space<hbm>>
      %dma_start3A_928 = arith.constant 0 : i32
      %dma_start3A_929 = tpu.memref_slice %arg3[%mul3A_4, %dma_start3A_928] : memref<576x128xi32, #tpu.memory_space<hbm>> -> memref<18x128xi32, #tpu.memory_space<hbm>>
      tpu.enqueue_dma source(%dma_start3A_929 : memref<18x128xi32, #tpu.memory_space<hbm>>) target(%arg5 : memref<18x128xi32, #tpu.memory_space<vmem>>) target_semaphore(%run_scoped3A : memref<!tpu.dma_semaphore, #tpu.memory_space<semaphore_mem>>)
      %dma_wait3A_930 = arith.constant 0 : i32
      %dma_wait3A_931 = tpu.memref_slice %arg3[%mul3A_4, %dma_wait3A_930] : memref<576x128xi32, #tpu.memory_space<hbm>> -> memref<18x128xi32, #tpu.memory_space<hbm>>
      %dma_wait3A_932 = arith.constant 0 : i32
      %dma_wait3A_933 = tpu.memref_slice %arg3[%mul3A_4, %dma_wait3A_932] : memref<576x128xi32, #tpu.memory_space<hbm>> -> memref<18x128xi32, #tpu.memory_space<hbm>>
      tpu.wait_dma2 semaphore(%run_scoped3A : memref<!tpu.dma_semaphore, #tpu.memory_space<semaphore_mem>>) src(%dma_wait3A_933 : memref<18x128xi32, #tpu.memory_space<hbm>>) dst(%arg5 : memref<18x128xi32, #tpu.memory_space<vmem>>)
      tpu.yield
    }) : () -> ()
    %dma_start3A = arith.constant 0 : i32
    %dma_start3A_5 = arith.constant 0 : i32
    %dma_start3A_6 = arith.constant 0 : i32
    %dma_start3A_7 = arith.constant 0 : i32
    %dma_start3A_8 = tpu.memref_slice %arg6[%dma_start3A_5, %dma_start3A_6, %dma_start3A_7] : memref<4x128x64xf32, #tpu.memory_space<vmem>> -> memref<1x128x64xf32, #tpu.memory_space<vmem>>
    %dma_start3A_9 = tpu.memref_squeeze %dma_start3A_8 : memref<1x128x64xf32, #tpu.memory_space<vmem>> -> memref<128x64xf32, #tpu.memory_space<vmem>>
    %dma_start3A_10 = arith.constant 0 : i32
    %dma_start3A_11 = tpu.memref_slice %arg5[%dma_start3A, %dma_start3A_10] : memref<18x128xi32, #tpu.memory_space<vmem>> -> memref<1x128xi32, #tpu.memory_space<vmem>>
    %dma_start3A_12 = tpu.memref_squeeze %dma_start3A_11 : memref<1x128xi32, #tpu.memory_space<vmem>> -> memref<128xi32, #tpu.memory_space<vmem>>
    %dma_start3A_13 = arith.constant 0 : i32
    %dma_start3A_14 = arith.constant 0 : i32
    %dma_start3A_15 = tpu.memref_slice %arg2[%dma_start3A_13, %dma_start3A_14] : memref<1024x64xf32, #tpu.memory_space<hbm>> -> memref<1024x64xf32, #tpu.memory_space<hbm>>
    tpu.enqueue_indirect_dma source(%dma_start3A_15 : memref<1024x64xf32, #tpu.memory_space<hbm>>) target(%dma_start3A_9 : memref<128x64xf32, #tpu.memory_space<vmem>>) offsets(%dma_start3A_12 : memref<128xi32, #tpu.memory_space<vmem>>) semaphore(%arg7 : memref<!tpu.dma_semaphore, #tpu.memory_space<semaphore_mem>>)
    %dma_start3A_16 = arith.constant 1 : i32
    %dma_start3A_17 = arith.constant 1 : i32
    %dma_start3A_18 = arith.constant 0 : i32
    %dma_start3A_19 = arith.constant 0 : i32
    %dma_start3A_20 = tpu.memref_slice %arg6[%dma_start3A_17, %dma_start3A_18, %dma_start3A_19] : memref<4x128x64xf32, #tpu.memory_space<vmem>> -> memref<1x128x64xf32, #tpu.memory_space<vmem>>
    %dma_start3A_21 = tpu.memref_squeeze %dma_start3A_20 : memref<1x128x64xf32, #tpu.memory_space<vmem>> -> memref<128x64xf32, #tpu.memory_space<vmem>>
    %dma_start3A_22 = arith.constant 0 : i32
    %dma_start3A_23 = tpu.memref_slice %arg5[%dma_start3A_16, %dma_start3A_22] : memref<18x128xi32, #tpu.memory_space<vmem>> -> memref<1x128xi32, #tpu.memory_space<vmem>>
    %dma_start3A_24 = tpu.memref_squeeze %dma_start3A_23 : memref<1x128xi32, #tpu.memory_space<vmem>> -> memref<128xi32, #tpu.memory_space<vmem>>
    %dma_start3A_25 = arith.constant 0 : i32
    %dma_start3A_26 = arith.constant 0 : i32
    %dma_start3A_27 = tpu.memref_slice %arg2[%dma_start3A_25, %dma_start3A_26] : memref<1024x64xf32, #tpu.memory_space<hbm>> -> memref<1024x64xf32, #tpu.memory_space<hbm>>
    tpu.enqueue_indirect_dma source(%dma_start3A_27 : memref<1024x64xf32, #tpu.memory_space<hbm>>) target(%dma_start3A_21 : memref<128x64xf32, #tpu.memory_space<vmem>>) offsets(%dma_start3A_24 : memref<128xi32, #tpu.memory_space<vmem>>) semaphore(%arg7 : memref<!tpu.dma_semaphore, #tpu.memory_space<semaphore_mem>>)
    %dma_start3A_28 = arith.constant 2 : i32
    %dma_start3A_29 = arith.constant 2 : i32
    %dma_start3A_30 = arith.constant 0 : i32
    %dma_start3A_31 = arith.constant 0 : i32
    %dma_start3A_32 = tpu.memref_slice %arg6[%dma_start3A_29, %dma_start3A_30, %dma_start3A_31] : memref<4x128x64xf32, #tpu.memory_space<vmem>> -> memref<1x128x64xf32, #tpu.memory_space<vmem>>
    %dma_start3A_33 = tpu.memref_squeeze %dma_start3A_32 : memref<1x128x64xf32, #tpu.memory_space<vmem>> -> memref<128x64xf32, #tpu.memory_space<vmem>>
    %dma_start3A_34 = arith.constant 0 : i32
    %dma_start3A_35 = tpu.memref_slice %arg5[%dma_start3A_28, %dma_start3A_34] : memref<18x128xi32, #tpu.memory_space<vmem>> -> memref<1x128xi32, #tpu.memory_space<vmem>>
    %dma_start3A_36 = tpu.memref_squeeze %dma_start3A_35 : memref<1x128xi32, #tpu.memory_space<vmem>> -> memref<128xi32, #tpu.memory_space<vmem>>
    %dma_start3A_37 = arith.constant 0 : i32
    %dma_start3A_38 = arith.constant 0 : i32
    %dma_start3A_39 = tpu.memref_slice %arg2[%dma_start3A_37, %dma_start3A_38] : memref<1024x64xf32, #tpu.memory_space<hbm>> -> memref<1024x64xf32, #tpu.memory_space<hbm>>
    tpu.enqueue_indirect_dma source(%dma_start3A_39 : memref<1024x64xf32, #tpu.memory_space<hbm>>) target(%dma_start3A_33 : memref<128x64xf32, #tpu.memory_space<vmem>>) offsets(%dma_start3A_36 : memref<128xi32, #tpu.memory_space<vmem>>) semaphore(%arg7 : memref<!tpu.dma_semaphore, #tpu.memory_space<semaphore_mem>>)
    %dma_start3A_40 = arith.constant 3 : i32
    %dma_start3A_41 = arith.constant 3 : i32
    %dma_start3A_42 = arith.constant 0 : i32
    %dma_start3A_43 = arith.constant 0 : i32
    %dma_start3A_44 = tpu.memref_slice %arg6[%dma_start3A_41, %dma_start3A_42, %dma_start3A_43] : memref<4x128x64xf32, #tpu.memory_space<vmem>> -> memref<1x128x64xf32, #tpu.memory_space<vmem>>
    %dma_start3A_45 = tpu.memref_squeeze %dma_start3A_44 : memref<1x128x64xf32, #tpu.memory_space<vmem>> -> memref<128x64xf32, #tpu.memory_space<vmem>>
    %dma_start3A_46 = arith.constant 0 : i32
    %dma_start3A_47 = tpu.memref_slice %arg5[%dma_start3A_40, %dma_start3A_46] : memref<18x128xi32, #tpu.memory_space<vmem>> -> memref<1x128xi32, #tpu.memory_space<vmem>>
    %dma_start3A_48 = tpu.memref_squeeze %dma_start3A_47 : memref<1x128xi32, #tpu.memory_space<vmem>> -> memref<128xi32, #tpu.memory_space<vmem>>
    %dma_start3A_49 = arith.constant 0 : i32
    %dma_start3A_50 = arith.constant 0 : i32
    %dma_start3A_51 = tpu.memref_slice %arg2[%dma_start3A_49, %dma_start3A_50] : memref<1024x64xf32, #tpu.memory_space<hbm>> -> memref<1024x64xf32, #tpu.memory_space<hbm>>
    tpu.enqueue_indirect_dma source(%dma_start3A_51 : memref<1024x64xf32, #tpu.memory_space<hbm>>) target(%dma_start3A_45 : memref<128x64xf32, #tpu.memory_space<vmem>>) offsets(%dma_start3A_48 : memref<128xi32, #tpu.memory_space<vmem>>) semaphore(%arg7 : memref<!tpu.dma_semaphore, #tpu.memory_space<semaphore_mem>>)
    %dma_wait3A = arith.constant 0 : i32
    %dma_wait3A_52 = arith.constant 0 : i32
    %dma_wait3A_53 = arith.constant 0 : i32
    %dma_wait3A_54 = arith.constant 0 : i32
    %dma_wait3A_55 = tpu.memref_slice %arg6[%dma_wait3A_52, %dma_wait3A_53, %dma_wait3A_54] : memref<4x128x64xf32, #tpu.memory_space<vmem>> -> memref<1x128x64xf32, #tpu.memory_space<vmem>>
    %dma_wait3A_56 = tpu.memref_squeeze %dma_wait3A_55 : memref<1x128x64xf32, #tpu.memory_space<vmem>> -> memref<128x64xf32, #tpu.memory_space<vmem>>
    %dma_wait3A_57 = arith.constant 0 : i32
    %dma_wait3A_58 = tpu.memref_slice %arg5[%dma_wait3A, %dma_wait3A_57] : memref<18x128xi32, #tpu.memory_space<vmem>> -> memref<1x128xi32, #tpu.memory_space<vmem>>
    %dma_wait3A_59 = tpu.memref_squeeze %dma_wait3A_58 : memref<1x128xi32, #tpu.memory_space<vmem>> -> memref<128xi32, #tpu.memory_space<vmem>>
    %dma_wait3A_60 = arith.constant 0 : i32
    %dma_wait3A_61 = arith.constant 0 : i32
    %dma_wait3A_62 = tpu.memref_slice %arg2[%dma_wait3A_60, %dma_wait3A_61] : memref<1024x64xf32, #tpu.memory_space<hbm>> -> memref<1024x64xf32, #tpu.memory_space<hbm>>
    tpu.wait_indirect_dma semaphore(%arg7 : memref<!tpu.dma_semaphore, #tpu.memory_space<semaphore_mem>>) src(%dma_wait3A_62 : memref<1024x64xf32, #tpu.memory_space<hbm>>) dst(%dma_wait3A_56 : memref<128x64xf32, #tpu.memory_space<vmem>>)
    %add3A_63 = arith.constant 0 : i32
    %add3A_64 = arith.addi %mul3A_2, %add3A_63 : i32
    %dma_start3A_65 = arith.constant 0 : i32
    %dma_start3A_66 = arith.constant 0 : i32
    %dma_start3A_67 = arith.constant 0 : i32
    %dma_start3A_68 = tpu.memref_slice %arg6[%dma_start3A_65, %dma_start3A_66, %dma_start3A_67] : memref<4x128x64xf32, #tpu.memory_space<vmem>> -> memref<1x128x64xf32, #tpu.memory_space<vmem>>
    %dma_start3A_69 = tpu.memref_squeeze %dma_start3A_68 : memref<1x128x64xf32, #tpu.memory_space<vmem>> -> memref<128x64xf32, #tpu.memory_space<vmem>>
    %dma_start3A_70 = arith.constant 0 : i32
    %dma_start3A_71 = tpu.memref_slice %arg4[%add3A_64, %dma_start3A_70] : memref<73728x64xf32, #tpu.memory_space<hbm>> -> memref<128x64xf32, #tpu.memory_space<hbm>>
    %dma_start3A_72 = arith.constant 0 : i32
    %dma_start3A_73 = tpu.memref_slice %arg4[%add3A_64, %dma_start3A_72] : memref<73728x64xf32, #tpu.memory_space<hbm>> -> memref<128x64xf32, #tpu.memory_space<hbm>>
    %dma_start3A_74 = arith.constant 0 : i32
    %dma_start3A_75 = arith.constant 0 : i32
    %dma_start3A_76 = tpu.memref_slice %arg6[%dma_start3A_65, %dma_start3A_74, %dma_start3A_75] : memref<4x128x64xf32, #tpu.memory_space<vmem>> -> memref<1x128x64xf32, #tpu.memory_space<vmem>>
    %dma_start3A_77 = tpu.memref_squeeze %dma_start3A_76 : memref<1x128x64xf32, #tpu.memory_space<vmem>> -> memref<128x64xf32, #tpu.memory_space<vmem>>
    tpu.enqueue_dma source(%dma_start3A_77 : memref<128x64xf32, #tpu.memory_space<vmem>>) target(%dma_start3A_73 : memref<128x64xf32, #tpu.memory_space<hbm>>) target_semaphore(%arg8 : memref<!tpu.dma_semaphore, #tpu.memory_space<semaphore_mem>>)
    %dma_wait3A_78 = arith.constant 0 : i32
    %dma_wait3A_79 = arith.constant 0 : i32
    %dma_wait3A_80 = arith.constant 0 : i32
    %dma_wait3A_81 = tpu.memref_slice %arg6[%dma_wait3A_78, %dma_wait3A_79, %dma_wait3A_80] : memref<4x128x64xf32, #tpu.memory_space<vmem>> -> memref<1x128x64xf32, #tpu.memory_space<vmem>>
    %dma_wait3A_82 = tpu.memref_squeeze %dma_wait3A_81 : memref<1x128x64xf32, #tpu.memory_space<vmem>> -> memref<128x64xf32, #tpu.memory_space<vmem>>
    %dma_wait3A_83 = arith.constant 0 : i32
    %dma_wait3A_84 = tpu.memref_slice %arg4[%add3A_64, %dma_wait3A_83] : memref<73728x64xf32, #tpu.memory_space<hbm>> -> memref<128x64xf32, #tpu.memory_space<hbm>>
    %dma_wait3A_85 = arith.constant 0 : i32
    %dma_wait3A_86 = tpu.memref_slice %arg4[%add3A_64, %dma_wait3A_85] : memref<73728x64xf32, #tpu.memory_space<hbm>> -> memref<128x64xf32, #tpu.memory_space<hbm>>
    %dma_wait3A_87 = arith.constant 0 : i32
    %dma_wait3A_88 = arith.constant 0 : i32
    %dma_wait3A_89 = tpu.memref_slice %arg6[%dma_wait3A_78, %dma_wait3A_87, %dma_wait3A_88] : memref<4x128x64xf32, #tpu.memory_space<vmem>> -> memref<1x128x64xf32, #tpu.memory_space<vmem>>
    %dma_wait3A_90 = tpu.memref_squeeze %dma_wait3A_89 : memref<1x128x64xf32, #tpu.memory_space<vmem>> -> memref<128x64xf32, #tpu.memory_space<vmem>>
    tpu.wait_dma2 semaphore(%arg8 : memref<!tpu.dma_semaphore, #tpu.memory_space<semaphore_mem>>) src(%dma_wait3A_90 : memref<128x64xf32, #tpu.memory_space<vmem>>) dst(%dma_wait3A_86 : memref<128x64xf32, #tpu.memory_space<hbm>>)
    %dma_start3A_91 = arith.constant 4 : i32
    %dma_start3A_92 = arith.constant 0 : i32
    %dma_start3A_93 = arith.constant 0 : i32
    %dma_start3A_94 = arith.constant 0 : i32
    %dma_start3A_95 = tpu.memref_slice %arg6[%dma_start3A_92, %dma_start3A_93, %dma_start3A_94] : memref<4x128x64xf32, #tpu.memory_space<vmem>> -> memref<1x128x64xf32, #tpu.memory_space<vmem>>
    %dma_start3A_96 = tpu.memref_squeeze %dma_start3A_95 : memref<1x128x64xf32, #tpu.memory_space<vmem>> -> memref<128x64xf32, #tpu.memory_space<vmem>>
    %dma_start3A_97 = arith.constant 0 : i32
    %dma_start3A_98 = tpu.memref_slice %arg5[%dma_start3A_91, %dma_start3A_97] : memref<18x128xi32, #tpu.memory_space<vmem>> -> memref<1x128xi32, #tpu.memory_space<vmem>>
    %dma_start3A_99 = tpu.memref_squeeze %dma_start3A_98 : memref<1x128xi32, #tpu.memory_space<vmem>> -> memref<128xi32, #tpu.memory_space<vmem>>
    %dma_start3A_100 = arith.constant 0 : i32
    %dma_start3A_101 = arith.constant 0 : i32
    %dma_start3A_102 = tpu.memref_slice %arg2[%dma_start3A_100, %dma_start3A_101] : memref<1024x64xf32, #tpu.memory_space<hbm>> -> memref<1024x64xf32, #tpu.memory_space<hbm>>
    tpu.enqueue_indirect_dma source(%dma_start3A_102 : memref<1024x64xf32, #tpu.memory_space<hbm>>) target(%dma_start3A_96 : memref<128x64xf32, #tpu.memory_space<vmem>>) offsets(%dma_start3A_99 : memref<128xi32, #tpu.memory_space<vmem>>) semaphore(%arg7 : memref<!tpu.dma_semaphore, #tpu.memory_space<semaphore_mem>>)
    %dma_wait3A_103 = arith.constant 1 : i32
    %dma_wait3A_104 = arith.constant 1 : i32
    %dma_wait3A_105 = arith.constant 0 : i32
    %dma_wait3A_106 = arith.constant 0 : i32
    %dma_wait3A_107 = tpu.memref_slice %arg6[%dma_wait3A_104, %dma_wait3A_105, %dma_wait3A_106] : memref<4x128x64xf32, #tpu.memory_space<vmem>> -> memref<1x128x64xf32, #tpu.memory_space<vmem>>
    %dma_wait3A_108 = tpu.memref_squeeze %dma_wait3A_107 : memref<1x128x64xf32, #tpu.memory_space<vmem>> -> memref<128x64xf32, #tpu.memory_space<vmem>>
    %dma_wait3A_109 = arith.constant 0 : i32
    %dma_wait3A_110 = tpu.memref_slice %arg5[%dma_wait3A_103, %dma_wait3A_109] : memref<18x128xi32, #tpu.memory_space<vmem>> -> memref<1x128xi32, #tpu.memory_space<vmem>>
    %dma_wait3A_111 = tpu.memref_squeeze %dma_wait3A_110 : memref<1x128xi32, #tpu.memory_space<vmem>> -> memref<128xi32, #tpu.memory_space<vmem>>
    %dma_wait3A_112 = arith.constant 0 : i32
    %dma_wait3A_113 = arith.constant 0 : i32
    %dma_wait3A_114 = tpu.memref_slice %arg2[%dma_wait3A_112, %dma_wait3A_113] : memref<1024x64xf32, #tpu.memory_space<hbm>> -> memref<1024x64xf32, #tpu.memory_space<hbm>>
    tpu.wait_indirect_dma semaphore(%arg7 : memref<!tpu.dma_semaphore, #tpu.memory_space<semaphore_mem>>) src(%dma_wait3A_114 : memref<1024x64xf32, #tpu.memory_space<hbm>>) dst(%dma_wait3A_108 : memref<128x64xf32, #tpu.memory_space<vmem>>)
    %add3A_115 = arith.constant 128 : i32
    %add3A_116 = arith.addi %mul3A_2, %add3A_115 : i32
    %dma_start3A_117 = arith.constant 1 : i32
    %dma_start3A_118 = arith.constant 0 : i32
    %dma_start3A_119 = arith.constant 0 : i32
    %dma_start3A_120 = tpu.memref_slice %arg6[%dma_start3A_117, %dma_start3A_118, %dma_start3A_119] : memref<4x128x64xf32, #tpu.memory_space<vmem>> -> memref<1x128x64xf32, #tpu.memory_space<vmem>>
    %dma_start3A_121 = tpu.memref_squeeze %dma_start3A_120 : memref<1x128x64xf32, #tpu.memory_space<vmem>> -> memref<128x64xf32, #tpu.memory_space<vmem>>
    %dma_start3A_122 = arith.constant 0 : i32
    %dma_start3A_123 = tpu.memref_slice %arg4[%add3A_116, %dma_start3A_122] : memref<73728x64xf32, #tpu.memory_space<hbm>> -> memref<128x64xf32, #tpu.memory_space<hbm>>
    %dma_start3A_124 = arith.constant 0 : i32
    %dma_start3A_125 = tpu.memref_slice %arg4[%add3A_116, %dma_start3A_124] : memref<73728x64xf32, #tpu.memory_space<hbm>> -> memref<128x64xf32, #tpu.memory_space<hbm>>
    %dma_start3A_126 = arith.constant 0 : i32
    %dma_start3A_127 = arith.constant 0 : i32
    %dma_start3A_128 = tpu.memref_slice %arg6[%dma_start3A_117, %dma_start3A_126, %dma_start3A_127] : memref<4x128x64xf32, #tpu.memory_space<vmem>> -> memref<1x128x64xf32, #tpu.memory_space<vmem>>
    %dma_start3A_129 = tpu.memref_squeeze %dma_start3A_128 : memref<1x128x64xf32, #tpu.memory_space<vmem>> -> memref<128x64xf32, #tpu.memory_space<vmem>>
    tpu.enqueue_dma source(%dma_start3A_129 : memref<128x64xf32, #tpu.memory_space<vmem>>) target(%dma_start3A_125 : memref<128x64xf32, #tpu.memory_space<hbm>>) target_semaphore(%arg8 : memref<!tpu.dma_semaphore, #tpu.memory_space<semaphore_mem>>)
    %dma_wait3A_130 = arith.constant 1 : i32
    %dma_wait3A_131 = arith.constant 0 : i32
    %dma_wait3A_132 = arith.constant 0 : i32
    %dma_wait3A_133 = tpu.memref_slice %arg6[%dma_wait3A_130, %dma_wait3A_131, %dma_wait3A_132] : memref<4x128x64xf32, #tpu.memory_space<vmem>> -> memref<1x128x64xf32, #tpu.memory_space<vmem>>
    %dma_wait3A_134 = tpu.memref_squeeze %dma_wait3A_133 : memref<1x128x64xf32, #tpu.memory_space<vmem>> -> memref<128x64xf32, #tpu.memory_space<vmem>>
    %dma_wait3A_135 = arith.constant 0 : i32
    %dma_wait3A_136 = tpu.memref_slice %arg4[%add3A_116, %dma_wait3A_135] : memref<73728x64xf32, #tpu.memory_space<hbm>> -> memref<128x64xf32, #tpu.memory_space<hbm>>
    %dma_wait3A_137 = arith.constant 0 : i32
    %dma_wait3A_138 = tpu.memref_slice %arg4[%add3A_116, %dma_wait3A_137] : memref<73728x64xf32, #tpu.memory_space<hbm>> -> memref<128x64xf32, #tpu.memory_space<hbm>>
    %dma_wait3A_139 = arith.constant 0 : i32
    %dma_wait3A_140 = arith.constant 0 : i32
    %dma_wait3A_141 = tpu.memref_slice %arg6[%dma_wait3A_130, %dma_wait3A_139, %dma_wait3A_140] : memref<4x128x64xf32, #tpu.memory_space<vmem>> -> memref<1x128x64xf32, #tpu.memory_space<vmem>>
    %dma_wait3A_142 = tpu.memref_squeeze %dma_wait3A_141 : memref<1x128x64xf32, #tpu.memory_space<vmem>> -> memref<128x64xf32, #tpu.memory_space<vmem>>
    tpu.wait_dma2 semaphore(%arg8 : memref<!tpu.dma_semaphore, #tpu.memory_space<semaphore_mem>>) src(%dma_wait3A_142 : memref<128x64xf32, #tpu.memory_space<vmem>>) dst(%dma_wait3A_138 : memref<128x64xf32, #tpu.memory_space<hbm>>)
    %dma_start3A_143 = arith.constant 5 : i32
    %dma_start3A_144 = arith.constant 1 : i32
    %dma_start3A_145 = arith.constant 0 : i32
    %dma_start3A_146 = arith.constant 0 : i32
    %dma_start3A_147 = tpu.memref_slice %arg6[%dma_start3A_144, %dma_start3A_145, %dma_start3A_146] : memref<4x128x64xf32, #tpu.memory_space<vmem>> -> memref<1x128x64xf32, #tpu.memory_space<vmem>>
    %dma_start3A_148 = tpu.memref_squeeze %dma_start3A_147 : memref<1x128x64xf32, #tpu.memory_space<vmem>> -> memref<128x64xf32, #tpu.memory_space<vmem>>
    %dma_start3A_149 = arith.constant 0 : i32
    %dma_start3A_150 = tpu.memref_slice %arg5[%dma_start3A_143, %dma_start3A_149] : memref<18x128xi32, #tpu.memory_space<vmem>> -> memref<1x128xi32, #tpu.memory_space<vmem>>
    %dma_start3A_151 = tpu.memref_squeeze %dma_start3A_150 : memref<1x128xi32, #tpu.memory_space<vmem>> -> memref<128xi32, #tpu.memory_space<vmem>>
    %dma_start3A_152 = arith.constant 0 : i32
    %dma_start3A_153 = arith.constant 0 : i32
    %dma_start3A_154 = tpu.memref_slice %arg2[%dma_start3A_152, %dma_start3A_153] : memref<1024x64xf32, #tpu.memory_space<hbm>> -> memref<1024x64xf32, #tpu.memory_space<hbm>>
    tpu.enqueue_indirect_dma source(%dma_start3A_154 : memref<1024x64xf32, #tpu.memory_space<hbm>>) target(%dma_start3A_148 : memref<128x64xf32, #tpu.memory_space<vmem>>) offsets(%dma_start3A_151 : memref<128xi32, #tpu.memory_space<vmem>>) semaphore(%arg7 : memref<!tpu.dma_semaphore, #tpu.memory_space<semaphore_mem>>)
    %dma_wait3A_155 = arith.constant 2 : i32
    %dma_wait3A_156 = arith.constant 2 : i32
    %dma_wait3A_157 = arith.constant 0 : i32
    %dma_wait3A_158 = arith.constant 0 : i32
    %dma_wait3A_159 = tpu.memref_slice %arg6[%dma_wait3A_156, %dma_wait3A_157, %dma_wait3A_158] : memref<4x128x64xf32, #tpu.memory_space<vmem>> -> memref<1x128x64xf32, #tpu.memory_space<vmem>>
    %dma_wait3A_160 = tpu.memref_squeeze %dma_wait3A_159 : memref<1x128x64xf32, #tpu.memory_space<vmem>> -> memref<128x64xf32, #tpu.memory_space<vmem>>
    %dma_wait3A_161 = arith.constant 0 : i32
    %dma_wait3A_162 = tpu.memref_slice %arg5[%dma_wait3A_155, %dma_wait3A_161] : memref<18x128xi32, #tpu.memory_space<vmem>> -> memref<1x128xi32, #tpu.memory_space<vmem>>
    %dma_wait3A_163 = tpu.memref_squeeze %dma_wait3A_162 : memref<1x128xi32, #tpu.memory_space<vmem>> -> memref<128xi32, #tpu.memory_space<vmem>>
    %dma_wait3A_164 = arith.constant 0 : i32
    %dma_wait3A_165 = arith.constant 0 : i32
    %dma_wait3A_166 = tpu.memref_slice %arg2[%dma_wait3A_164, %dma_wait3A_165] : memref<1024x64xf32, #tpu.memory_space<hbm>> -> memref<1024x64xf32, #tpu.memory_space<hbm>>
    tpu.wait_indirect_dma semaphore(%arg7 : memref<!tpu.dma_semaphore, #tpu.memory_space<semaphore_mem>>) src(%dma_wait3A_166 : memref<1024x64xf32, #tpu.memory_space<hbm>>) dst(%dma_wait3A_160 : memref<128x64xf32, #tpu.memory_space<vmem>>)
    %add3A_167 = arith.constant 256 : i32
    %add3A_168 = arith.addi %mul3A_2, %add3A_167 : i32
    %dma_start3A_169 = arith.constant 2 : i32
    %dma_start3A_170 = arith.constant 0 : i32
    %dma_start3A_171 = arith.constant 0 : i32
    %dma_start3A_172 = tpu.memref_slice %arg6[%dma_start3A_169, %dma_start3A_170, %dma_start3A_171] : memref<4x128x64xf32, #tpu.memory_space<vmem>> -> memref<1x128x64xf32, #tpu.memory_space<vmem>>
    %dma_start3A_173 = tpu.memref_squeeze %dma_start3A_172 : memref<1x128x64xf32, #tpu.memory_space<vmem>> -> memref<128x64xf32, #tpu.memory_space<vmem>>
    %dma_start3A_174 = arith.constant 0 : i32
    %dma_start3A_175 = tpu.memref_slice %arg4[%add3A_168, %dma_start3A_174] : memref<73728x64xf32, #tpu.memory_space<hbm>> -> memref<128x64xf32, #tpu.memory_space<hbm>>
    %dma_start3A_176 = arith.constant 0 : i32
    %dma_start3A_177 = tpu.memref_slice %arg4[%add3A_168, %dma_start3A_176] : memref<73728x64xf32, #tpu.memory_space<hbm>> -> memref<128x64xf32, #tpu.memory_space<hbm>>
    %dma_start3A_178 = arith.constant 0 : i32
    %dma_start3A_179 = arith.constant 0 : i32
    %dma_start3A_180 = tpu.memref_slice %arg6[%dma_start3A_169, %dma_start3A_178, %dma_start3A_179] : memref<4x128x64xf32, #tpu.memory_space<vmem>> -> memref<1x128x64xf32, #tpu.memory_space<vmem>>
    %dma_start3A_181 = tpu.memref_squeeze %dma_start3A_180 : memref<1x128x64xf32, #tpu.memory_space<vmem>> -> memref<128x64xf32, #tpu.memory_space<vmem>>
    tpu.enqueue_dma source(%dma_start3A_181 : memref<128x64xf32, #tpu.memory_space<vmem>>) target(%dma_start3A_177 : memref<128x64xf32, #tpu.memory_space<hbm>>) target_semaphore(%arg8 : memref<!tpu.dma_semaphore, #tpu.memory_space<semaphore_mem>>)
    %dma_wait3A_182 = arith.constant 2 : i32
    %dma_wait3A_183 = arith.constant 0 : i32
    %dma_wait3A_184 = arith.constant 0 : i32
    %dma_wait3A_185 = tpu.memref_slice %arg6[%dma_wait3A_182, %dma_wait3A_183, %dma_wait3A_184] : memref<4x128x64xf32, #tpu.memory_space<vmem>> -> memref<1x128x64xf32, #tpu.memory_space<vmem>>
    %dma_wait3A_186 = tpu.memref_squeeze %dma_wait3A_185 : memref<1x128x64xf32, #tpu.memory_space<vmem>> -> memref<128x64xf32, #tpu.memory_space<vmem>>
    %dma_wait3A_187 = arith.constant 0 : i32
    %dma_wait3A_188 = tpu.memref_slice %arg4[%add3A_168, %dma_wait3A_187] : memref<73728x64xf32, #tpu.memory_space<hbm>> -> memref<128x64xf32, #tpu.memory_space<hbm>>
    %dma_wait3A_189 = arith.constant 0 : i32
    %dma_wait3A_190 = tpu.memref_slice %arg4[%add3A_168, %dma_wait3A_189] : memref<73728x64xf32, #tpu.memory_space<hbm>> -> memref<128x64xf32, #tpu.memory_space<hbm>>
    %dma_wait3A_191 = arith.constant 0 : i32
    %dma_wait3A_192 = arith.constant 0 : i32
    %dma_wait3A_193 = tpu.memref_slice %arg6[%dma_wait3A_182, %dma_wait3A_191, %dma_wait3A_192] : memref<4x128x64xf32, #tpu.memory_space<vmem>> -> memref<1x128x64xf32, #tpu.memory_space<vmem>>
    %dma_wait3A_194 = tpu.memref_squeeze %dma_wait3A_193 : memref<1x128x64xf32, #tpu.memory_space<vmem>> -> memref<128x64xf32, #tpu.memory_space<vmem>>
    tpu.wait_dma2 semaphore(%arg8 : memref<!tpu.dma_semaphore, #tpu.memory_space<semaphore_mem>>) src(%dma_wait3A_194 : memref<128x64xf32, #tpu.memory_space<vmem>>) dst(%dma_wait3A_190 : memref<128x64xf32, #tpu.memory_space<hbm>>)
    %dma_start3A_195 = arith.constant 6 : i32
    %dma_start3A_196 = arith.constant 2 : i32
    %dma_start3A_197 = arith.constant 0 : i32
    %dma_start3A_198 = arith.constant 0 : i32
    %dma_start3A_199 = tpu.memref_slice %arg6[%dma_start3A_196, %dma_start3A_197, %dma_start3A_198] : memref<4x128x64xf32, #tpu.memory_space<vmem>> -> memref<1x128x64xf32, #tpu.memory_space<vmem>>
    %dma_start3A_200 = tpu.memref_squeeze %dma_start3A_199 : memref<1x128x64xf32, #tpu.memory_space<vmem>> -> memref<128x64xf32, #tpu.memory_space<vmem>>
    %dma_start3A_201 = arith.constant 0 : i32
    %dma_start3A_202 = tpu.memref_slice %arg5[%dma_start3A_195, %dma_start3A_201] : memref<18x128xi32, #tpu.memory_space<vmem>> -> memref<1x128xi32, #tpu.memory_space<vmem>>
    %dma_start3A_203 = tpu.memref_squeeze %dma_start3A_202 : memref<1x128xi32, #tpu.memory_space<vmem>> -> memref<128xi32, #tpu.memory_space<vmem>>
    %dma_start3A_204 = arith.constant 0 : i32
    %dma_start3A_205 = arith.constant 0 : i32
    %dma_start3A_206 = tpu.memref_slice %arg2[%dma_start3A_204, %dma_start3A_205] : memref<1024x64xf32, #tpu.memory_space<hbm>> -> memref<1024x64xf32, #tpu.memory_space<hbm>>
    tpu.enqueue_indirect_dma source(%dma_start3A_206 : memref<1024x64xf32, #tpu.memory_space<hbm>>) target(%dma_start3A_200 : memref<128x64xf32, #tpu.memory_space<vmem>>) offsets(%dma_start3A_203 : memref<128xi32, #tpu.memory_space<vmem>>) semaphore(%arg7 : memref<!tpu.dma_semaphore, #tpu.memory_space<semaphore_mem>>)
    %dma_wait3A_207 = arith.constant 3 : i32
    %dma_wait3A_208 = arith.constant 3 : i32
    %dma_wait3A_209 = arith.constant 0 : i32
    %dma_wait3A_210 = arith.constant 0 : i32
    %dma_wait3A_211 = tpu.memref_slice %arg6[%dma_wait3A_208, %dma_wait3A_209, %dma_wait3A_210] : memref<4x128x64xf32, #tpu.memory_space<vmem>> -> memref<1x128x64xf32, #tpu.memory_space<vmem>>
    %dma_wait3A_212 = tpu.memref_squeeze %dma_wait3A_211 : memref<1x128x64xf32, #tpu.memory_space<vmem>> -> memref<128x64xf32, #tpu.memory_space<vmem>>
    %dma_wait3A_213 = arith.constant 0 : i32
    %dma_wait3A_214 = tpu.memref_slice %arg5[%dma_wait3A_207, %dma_wait3A_213] : memref<18x128xi32, #tpu.memory_space<vmem>> -> memref<1x128xi32, #tpu.memory_space<vmem>>
    %dma_wait3A_215 = tpu.memref_squeeze %dma_wait3A_214 : memref<1x128xi32, #tpu.memory_space<vmem>> -> memref<128xi32, #tpu.memory_space<vmem>>
    %dma_wait3A_216 = arith.constant 0 : i32
    %dma_wait3A_217 = arith.constant 0 : i32
    %dma_wait3A_218 = tpu.memref_slice %arg2[%dma_wait3A_216, %dma_wait3A_217] : memref<1024x64xf32, #tpu.memory_space<hbm>> -> memref<1024x64xf32, #tpu.memory_space<hbm>>
    tpu.wait_indirect_dma semaphore(%arg7 : memref<!tpu.dma_semaphore, #tpu.memory_space<semaphore_mem>>) src(%dma_wait3A_218 : memref<1024x64xf32, #tpu.memory_space<hbm>>) dst(%dma_wait3A_212 : memref<128x64xf32, #tpu.memory_space<vmem>>)
    %add3A_219 = arith.constant 384 : i32
    %add3A_220 = arith.addi %mul3A_2, %add3A_219 : i32
    %dma_start3A_221 = arith.constant 3 : i32
    %dma_start3A_222 = arith.constant 0 : i32
    %dma_start3A_223 = arith.constant 0 : i32
    %dma_start3A_224 = tpu.memref_slice %arg6[%dma_start3A_221, %dma_start3A_222, %dma_start3A_223] : memref<4x128x64xf32, #tpu.memory_space<vmem>> -> memref<1x128x64xf32, #tpu.memory_space<vmem>>
    %dma_start3A_225 = tpu.memref_squeeze %dma_start3A_224 : memref<1x128x64xf32, #tpu.memory_space<vmem>> -> memref<128x64xf32, #tpu.memory_space<vmem>>
    %dma_start3A_226 = arith.constant 0 : i32
    %dma_start3A_227 = tpu.memref_slice %arg4[%add3A_220, %dma_start3A_226] : memref<73728x64xf32, #tpu.memory_space<hbm>> -> memref<128x64xf32, #tpu.memory_space<hbm>>
    %dma_start3A_228 = arith.constant 0 : i32
    %dma_start3A_229 = tpu.memref_slice %arg4[%add3A_220, %dma_start3A_228] : memref<73728x64xf32, #tpu.memory_space<hbm>> -> memref<128x64xf32, #tpu.memory_space<hbm>>
    %dma_start3A_230 = arith.constant 0 : i32
    %dma_start3A_231 = arith.constant 0 : i32
    %dma_start3A_232 = tpu.memref_slice %arg6[%dma_start3A_221, %dma_start3A_230, %dma_start3A_231] : memref<4x128x64xf32, #tpu.memory_space<vmem>> -> memref<1x128x64xf32, #tpu.memory_space<vmem>>
    %dma_start3A_233 = tpu.memref_squeeze %dma_start3A_232 : memref<1x128x64xf32, #tpu.memory_space<vmem>> -> memref<128x64xf32, #tpu.memory_space<vmem>>
    tpu.enqueue_dma source(%dma_start3A_233 : memref<128x64xf32, #tpu.memory_space<vmem>>) target(%dma_start3A_229 : memref<128x64xf32, #tpu.memory_space<hbm>>) target_semaphore(%arg8 : memref<!tpu.dma_semaphore, #tpu.memory_space<semaphore_mem>>)
    %dma_wait3A_234 = arith.constant 3 : i32
    %dma_wait3A_235 = arith.constant 0 : i32
    %dma_wait3A_236 = arith.constant 0 : i32
    %dma_wait3A_237 = tpu.memref_slice %arg6[%dma_wait3A_234, %dma_wait3A_235, %dma_wait3A_236] : memref<4x128x64xf32, #tpu.memory_space<vmem>> -> memref<1x128x64xf32, #tpu.memory_space<vmem>>
    %dma_wait3A_238 = tpu.memref_squeeze %dma_wait3A_237 : memref<1x128x64xf32, #tpu.memory_space<vmem>> -> memref<128x64xf32, #tpu.memory_space<vmem>>
    %dma_wait3A_239 = arith.constant 0 : i32
    %dma_wait3A_240 = tpu.memref_slice %arg4[%add3A_220, %dma_wait3A_239] : memref<73728x64xf32, #tpu.memory_space<hbm>> -> memref<128x64xf32, #tpu.memory_space<hbm>>
    %dma_wait3A_241 = arith.constant 0 : i32
    %dma_wait3A_242 = tpu.memref_slice %arg4[%add3A_220, %dma_wait3A_241] : memref<73728x64xf32, #tpu.memory_space<hbm>> -> memref<128x64xf32, #tpu.memory_space<hbm>>
    %dma_wait3A_243 = arith.constant 0 : i32
    %dma_wait3A_244 = arith.constant 0 : i32
    %dma_wait3A_245 = tpu.memref_slice %arg6[%dma_wait3A_234, %dma_wait3A_243, %dma_wait3A_244] : memref<4x128x64xf32, #tpu.memory_space<vmem>> -> memref<1x128x64xf32, #tpu.memory_space<vmem>>
    %dma_wait3A_246 = tpu.memref_squeeze %dma_wait3A_245 : memref<1x128x64xf32, #tpu.memory_space<vmem>> -> memref<128x64xf32, #tpu.memory_space<vmem>>
    tpu.wait_dma2 semaphore(%arg8 : memref<!tpu.dma_semaphore, #tpu.memory_space<semaphore_mem>>) src(%dma_wait3A_246 : memref<128x64xf32, #tpu.memory_space<vmem>>) dst(%dma_wait3A_242 : memref<128x64xf32, #tpu.memory_space<hbm>>)
    %dma_start3A_247 = arith.constant 7 : i32
    %dma_start3A_248 = arith.constant 3 : i32
    %dma_start3A_249 = arith.constant 0 : i32
    %dma_start3A_250 = arith.constant 0 : i32
    %dma_start3A_251 = tpu.memref_slice %arg6[%dma_start3A_248, %dma_start3A_249, %dma_start3A_250] : memref<4x128x64xf32, #tpu.memory_space<vmem>> -> memref<1x128x64xf32, #tpu.memory_space<vmem>>
    %dma_start3A_252 = tpu.memref_squeeze %dma_start3A_251 : memref<1x128x64xf32, #tpu.memory_space<vmem>> -> memref<128x64xf32, #tpu.memory_space<vmem>>
    %dma_start3A_253 = arith.constant 0 : i32
    %dma_start3A_254 = tpu.memref_slice %arg5[%dma_start3A_247, %dma_start3A_253] : memref<18x128xi32, #tpu.memory_space<vmem>> -> memref<1x128xi32, #tpu.memory_space<vmem>>
    %dma_start3A_255 = tpu.memref_squeeze %dma_start3A_254 : memref<1x128xi32, #tpu.memory_space<vmem>> -> memref<128xi32, #tpu.memory_space<vmem>>
    %dma_start3A_256 = arith.constant 0 : i32
    %dma_start3A_257 = arith.constant 0 : i32
    %dma_start3A_258 = tpu.memref_slice %arg2[%dma_start3A_256, %dma_start3A_257] : memref<1024x64xf32, #tpu.memory_space<hbm>> -> memref<1024x64xf32, #tpu.memory_space<hbm>>
    tpu.enqueue_indirect_dma source(%dma_start3A_258 : memref<1024x64xf32, #tpu.memory_space<hbm>>) target(%dma_start3A_252 : memref<128x64xf32, #tpu.memory_space<vmem>>) offsets(%dma_start3A_255 : memref<128xi32, #tpu.memory_space<vmem>>) semaphore(%arg7 : memref<!tpu.dma_semaphore, #tpu.memory_space<semaphore_mem>>)
    %dma_wait3A_259 = arith.constant 4 : i32
    %dma_wait3A_260 = arith.constant 0 : i32
    %dma_wait3A_261 = arith.constant 0 : i32
    %dma_wait3A_262 = arith.constant 0 : i32
    %dma_wait3A_263 = tpu.memref_slice %arg6[%dma_wait3A_260, %dma_wait3A_261, %dma_wait3A_262] : memref<4x128x64xf32, #tpu.memory_space<vmem>> -> memref<1x128x64xf32, #tpu.memory_space<vmem>>
    %dma_wait3A_264 = tpu.memref_squeeze %dma_wait3A_263 : memref<1x128x64xf32, #tpu.memory_space<vmem>> -> memref<128x64xf32, #tpu.memory_space<vmem>>
    %dma_wait3A_265 = arith.constant 0 : i32
    %dma_wait3A_266 = tpu.memref_slice %arg5[%dma_wait3A_259, %dma_wait3A_265] : memref<18x128xi32, #tpu.memory_space<vmem>> -> memref<1x128xi32, #tpu.memory_space<vmem>>
    %dma_wait3A_267 = tpu.memref_squeeze %dma_wait3A_266 : memref<1x128xi32, #tpu.memory_space<vmem>> -> memref<128xi32, #tpu.memory_space<vmem>>
    %dma_wait3A_268 = arith.constant 0 : i32
    %dma_wait3A_269 = arith.constant 0 : i32
    %dma_wait3A_270 = tpu.memref_slice %arg2[%dma_wait3A_268, %dma_wait3A_269] : memref<1024x64xf32, #tpu.memory_space<hbm>> -> memref<1024x64xf32, #tpu.memory_space<hbm>>
    tpu.wait_indirect_dma semaphore(%arg7 : memref<!tpu.dma_semaphore, #tpu.memory_space<semaphore_mem>>) src(%dma_wait3A_270 : memref<1024x64xf32, #tpu.memory_space<hbm>>) dst(%dma_wait3A_264 : memref<128x64xf32, #tpu.memory_space<vmem>>)
    %add3A_271 = arith.constant 512 : i32
    %add3A_272 = arith.addi %mul3A_2, %add3A_271 : i32
    %dma_start3A_273 = arith.constant 0 : i32
    %dma_start3A_274 = arith.constant 0 : i32
    %dma_start3A_275 = arith.constant 0 : i32
    %dma_start3A_276 = tpu.memref_slice %arg6[%dma_start3A_273, %dma_start3A_274, %dma_start3A_275] : memref<4x128x64xf32, #tpu.memory_space<vmem>> -> memref<1x128x64xf32, #tpu.memory_space<vmem>>
    %dma_start3A_277 = tpu.memref_squeeze %dma_start3A_276 : memref<1x128x64xf32, #tpu.memory_space<vmem>> -> memref<128x64xf32, #tpu.memory_space<vmem>>
    %dma_start3A_278 = arith.constant 0 : i32
    %dma_start3A_279 = tpu.memref_slice %arg4[%add3A_272, %dma_start3A_278] : memref<73728x64xf32, #tpu.memory_space<hbm>> -> memref<128x64xf32, #tpu.memory_space<hbm>>
    %dma_start3A_280 = arith.constant 0 : i32
    %dma_start3A_281 = tpu.memref_slice %arg4[%add3A_272, %dma_start3A_280] : memref<73728x64xf32, #tpu.memory_space<hbm>> -> memref<128x64xf32, #tpu.memory_space<hbm>>
    %dma_start3A_282 = arith.constant 0 : i32
    %dma_start3A_283 = arith.constant 0 : i32
    %dma_start3A_284 = tpu.memref_slice %arg6[%dma_start3A_273, %dma_start3A_282, %dma_start3A_283] : memref<4x128x64xf32, #tpu.memory_space<vmem>> -> memref<1x128x64xf32, #tpu.memory_space<vmem>>
    %dma_start3A_285 = tpu.memref_squeeze %dma_start3A_284 : memref<1x128x64xf32, #tpu.memory_space<vmem>> -> memref<128x64xf32, #tpu.memory_space<vmem>>
    tpu.enqueue_dma source(%dma_start3A_285 : memref<128x64xf32, #tpu.memory_space<vmem>>) target(%dma_start3A_281 : memref<128x64xf32, #tpu.memory_space<hbm>>) target_semaphore(%arg8 : memref<!tpu.dma_semaphore, #tpu.memory_space<semaphore_mem>>)
    %dma_wait3A_286 = arith.constant 0 : i32
    %dma_wait3A_287 = arith.constant 0 : i32
    %dma_wait3A_288 = arith.constant 0 : i32
    %dma_wait3A_289 = tpu.memref_slice %arg6[%dma_wait3A_286, %dma_wait3A_287, %dma_wait3A_288] : memref<4x128x64xf32, #tpu.memory_space<vmem>> -> memref<1x128x64xf32, #tpu.memory_space<vmem>>
    %dma_wait3A_290 = tpu.memref_squeeze %dma_wait3A_289 : memref<1x128x64xf32, #tpu.memory_space<vmem>> -> memref<128x64xf32, #tpu.memory_space<vmem>>
    %dma_wait3A_291 = arith.constant 0 : i32
    %dma_wait3A_292 = tpu.memref_slice %arg4[%add3A_272, %dma_wait3A_291] : memref<73728x64xf32, #tpu.memory_space<hbm>> -> memref<128x64xf32, #tpu.memory_space<hbm>>
    %dma_wait3A_293 = arith.constant 0 : i32
    %dma_wait3A_294 = tpu.memref_slice %arg4[%add3A_272, %dma_wait3A_293] : memref<73728x64xf32, #tpu.memory_space<hbm>> -> memref<128x64xf32, #tpu.memory_space<hbm>>
    %dma_wait3A_295 = arith.constant 0 : i32
    %dma_wait3A_296 = arith.constant 0 : i32
    %dma_wait3A_297 = tpu.memref_slice %arg6[%dma_wait3A_286, %dma_wait3A_295, %dma_wait3A_296] : memref<4x128x64xf32, #tpu.memory_space<vmem>> -> memref<1x128x64xf32, #tpu.memory_space<vmem>>
    %dma_wait3A_298 = tpu.memref_squeeze %dma_wait3A_297 : memref<1x128x64xf32, #tpu.memory_space<vmem>> -> memref<128x64xf32, #tpu.memory_space<vmem>>
    tpu.wait_dma2 semaphore(%arg8 : memref<!tpu.dma_semaphore, #tpu.memory_space<semaphore_mem>>) src(%dma_wait3A_298 : memref<128x64xf32, #tpu.memory_space<vmem>>) dst(%dma_wait3A_294 : memref<128x64xf32, #tpu.memory_space<hbm>>)
    %dma_start3A_299 = arith.constant 8 : i32
    %dma_start3A_300 = arith.constant 0 : i32
    %dma_start3A_301 = arith.constant 0 : i32
    %dma_start3A_302 = arith.constant 0 : i32
    %dma_start3A_303 = tpu.memref_slice %arg6[%dma_start3A_300, %dma_start3A_301, %dma_start3A_302] : memref<4x128x64xf32, #tpu.memory_space<vmem>> -> memref<1x128x64xf32, #tpu.memory_space<vmem>>
    %dma_start3A_304 = tpu.memref_squeeze %dma_start3A_303 : memref<1x128x64xf32, #tpu.memory_space<vmem>> -> memref<128x64xf32, #tpu.memory_space<vmem>>
    %dma_start3A_305 = arith.constant 0 : i32
    %dma_start3A_306 = tpu.memref_slice %arg5[%dma_start3A_299, %dma_start3A_305] : memref<18x128xi32, #tpu.memory_space<vmem>> -> memref<1x128xi32, #tpu.memory_space<vmem>>
    %dma_start3A_307 = tpu.memref_squeeze %dma_start3A_306 : memref<1x128xi32, #tpu.memory_space<vmem>> -> memref<128xi32, #tpu.memory_space<vmem>>
    %dma_start3A_308 = arith.constant 0 : i32
    %dma_start3A_309 = arith.constant 0 : i32
    %dma_start3A_310 = tpu.memref_slice %arg2[%dma_start3A_308, %dma_start3A_309] : memref<1024x64xf32, #tpu.memory_space<hbm>> -> memref<1024x64xf32, #tpu.memory_space<hbm>>
    tpu.enqueue_indirect_dma source(%dma_start3A_310 : memref<1024x64xf32, #tpu.memory_space<hbm>>) target(%dma_start3A_304 : memref<128x64xf32, #tpu.memory_space<vmem>>) offsets(%dma_start3A_307 : memref<128xi32, #tpu.memory_space<vmem>>) semaphore(%arg7 : memref<!tpu.dma_semaphore, #tpu.memory_space<semaphore_mem>>)
    %dma_wait3A_311 = arith.constant 5 : i32
    %dma_wait3A_312 = arith.constant 1 : i32
    %dma_wait3A_313 = arith.constant 0 : i32
    %dma_wait3A_314 = arith.constant 0 : i32
    %dma_wait3A_315 = tpu.memref_slice %arg6[%dma_wait3A_312, %dma_wait3A_313, %dma_wait3A_314] : memref<4x128x64xf32, #tpu.memory_space<vmem>> -> memref<1x128x64xf32, #tpu.memory_space<vmem>>
    %dma_wait3A_316 = tpu.memref_squeeze %dma_wait3A_315 : memref<1x128x64xf32, #tpu.memory_space<vmem>> -> memref<128x64xf32, #tpu.memory_space<vmem>>
    %dma_wait3A_317 = arith.constant 0 : i32
    %dma_wait3A_318 = tpu.memref_slice %arg5[%dma_wait3A_311, %dma_wait3A_317] : memref<18x128xi32, #tpu.memory_space<vmem>> -> memref<1x128xi32, #tpu.memory_space<vmem>>
    %dma_wait3A_319 = tpu.memref_squeeze %dma_wait3A_318 : memref<1x128xi32, #tpu.memory_space<vmem>> -> memref<128xi32, #tpu.memory_space<vmem>>
    %dma_wait3A_320 = arith.constant 0 : i32
    %dma_wait3A_321 = arith.constant 0 : i32
    %dma_wait3A_322 = tpu.memref_slice %arg2[%dma_wait3A_320, %dma_wait3A_321] : memref<1024x64xf32, #tpu.memory_space<hbm>> -> memref<1024x64xf32, #tpu.memory_space<hbm>>
    tpu.wait_indirect_dma semaphore(%arg7 : memref<!tpu.dma_semaphore, #tpu.memory_space<semaphore_mem>>) src(%dma_wait3A_322 : memref<1024x64xf32, #tpu.memory_space<hbm>>) dst(%dma_wait3A_316 : memref<128x64xf32, #tpu.memory_space<vmem>>)
    %add3A_323 = arith.constant 640 : i32
    %add3A_324 = arith.addi %mul3A_2, %add3A_323 : i32
    %dma_start3A_325 = arith.constant 1 : i32
    %dma_start3A_326 = arith.constant 0 : i32
    %dma_start3A_327 = arith.constant 0 : i32
    %dma_start3A_328 = tpu.memref_slice %arg6[%dma_start3A_325, %dma_start3A_326, %dma_start3A_327] : memref<4x128x64xf32, #tpu.memory_space<vmem>> -> memref<1x128x64xf32, #tpu.memory_space<vmem>>
    %dma_start3A_329 = tpu.memref_squeeze %dma_start3A_328 : memref<1x128x64xf32, #tpu.memory_space<vmem>> -> memref<128x64xf32, #tpu.memory_space<vmem>>
    %dma_start3A_330 = arith.constant 0 : i32
    %dma_start3A_331 = tpu.memref_slice %arg4[%add3A_324, %dma_start3A_330] : memref<73728x64xf32, #tpu.memory_space<hbm>> -> memref<128x64xf32, #tpu.memory_space<hbm>>
    %dma_start3A_332 = arith.constant 0 : i32
    %dma_start3A_333 = tpu.memref_slice %arg4[%add3A_324, %dma_start3A_332] : memref<73728x64xf32, #tpu.memory_space<hbm>> -> memref<128x64xf32, #tpu.memory_space<hbm>>
    %dma_start3A_334 = arith.constant 0 : i32
    %dma_start3A_335 = arith.constant 0 : i32
    %dma_start3A_336 = tpu.memref_slice %arg6[%dma_start3A_325, %dma_start3A_334, %dma_start3A_335] : memref<4x128x64xf32, #tpu.memory_space<vmem>> -> memref<1x128x64xf32, #tpu.memory_space<vmem>>
    %dma_start3A_337 = tpu.memref_squeeze %dma_start3A_336 : memref<1x128x64xf32, #tpu.memory_space<vmem>> -> memref<128x64xf32, #tpu.memory_space<vmem>>
    tpu.enqueue_dma source(%dma_start3A_337 : memref<128x64xf32, #tpu.memory_space<vmem>>) target(%dma_start3A_333 : memref<128x64xf32, #tpu.memory_space<hbm>>) target_semaphore(%arg8 : memref<!tpu.dma_semaphore, #tpu.memory_space<semaphore_mem>>)
    %dma_wait3A_338 = arith.constant 1 : i32
    %dma_wait3A_339 = arith.constant 0 : i32
    %dma_wait3A_340 = arith.constant 0 : i32
    %dma_wait3A_341 = tpu.memref_slice %arg6[%dma_wait3A_338, %dma_wait3A_339, %dma_wait3A_340] : memref<4x128x64xf32, #tpu.memory_space<vmem>> -> memref<1x128x64xf32, #tpu.memory_space<vmem>>
    %dma_wait3A_342 = tpu.memref_squeeze %dma_wait3A_341 : memref<1x128x64xf32, #tpu.memory_space<vmem>> -> memref<128x64xf32, #tpu.memory_space<vmem>>
    %dma_wait3A_343 = arith.constant 0 : i32
    %dma_wait3A_344 = tpu.memref_slice %arg4[%add3A_324, %dma_wait3A_343] : memref<73728x64xf32, #tpu.memory_space<hbm>> -> memref<128x64xf32, #tpu.memory_space<hbm>>
    %dma_wait3A_345 = arith.constant 0 : i32
    %dma_wait3A_346 = tpu.memref_slice %arg4[%add3A_324, %dma_wait3A_345] : memref<73728x64xf32, #tpu.memory_space<hbm>> -> memref<128x64xf32, #tpu.memory_space<hbm>>
    %dma_wait3A_347 = arith.constant 0 : i32
    %dma_wait3A_348 = arith.constant 0 : i32
    %dma_wait3A_349 = tpu.memref_slice %arg6[%dma_wait3A_338, %dma_wait3A_347, %dma_wait3A_348] : memref<4x128x64xf32, #tpu.memory_space<vmem>> -> memref<1x128x64xf32, #tpu.memory_space<vmem>>
    %dma_wait3A_350 = tpu.memref_squeeze %dma_wait3A_349 : memref<1x128x64xf32, #tpu.memory_space<vmem>> -> memref<128x64xf32, #tpu.memory_space<vmem>>
    tpu.wait_dma2 semaphore(%arg8 : memref<!tpu.dma_semaphore, #tpu.memory_space<semaphore_mem>>) src(%dma_wait3A_350 : memref<128x64xf32, #tpu.memory_space<vmem>>) dst(%dma_wait3A_346 : memref<128x64xf32, #tpu.memory_space<hbm>>)
    %dma_start3A_351 = arith.constant 9 : i32
    %dma_start3A_352 = arith.constant 1 : i32
    %dma_start3A_353 = arith.constant 0 : i32
    %dma_start3A_354 = arith.constant 0 : i32
    %dma_start3A_355 = tpu.memref_slice %arg6[%dma_start3A_352, %dma_start3A_353, %dma_start3A_354] : memref<4x128x64xf32, #tpu.memory_space<vmem>> -> memref<1x128x64xf32, #tpu.memory_space<vmem>>
    %dma_start3A_356 = tpu.memref_squeeze %dma_start3A_355 : memref<1x128x64xf32, #tpu.memory_space<vmem>> -> memref<128x64xf32, #tpu.memory_space<vmem>>
    %dma_start3A_357 = arith.constant 0 : i32
    %dma_start3A_358 = tpu.memref_slice %arg5[%dma_start3A_351, %dma_start3A_357] : memref<18x128xi32, #tpu.memory_space<vmem>> -> memref<1x128xi32, #tpu.memory_space<vmem>>
    %dma_start3A_359 = tpu.memref_squeeze %dma_start3A_358 : memref<1x128xi32, #tpu.memory_space<vmem>> -> memref<128xi32, #tpu.memory_space<vmem>>
    %dma_start3A_360 = arith.constant 0 : i32
    %dma_start3A_361 = arith.constant 0 : i32
    %dma_start3A_362 = tpu.memref_slice %arg2[%dma_start3A_360, %dma_start3A_361] : memref<1024x64xf32, #tpu.memory_space<hbm>> -> memref<1024x64xf32, #tpu.memory_space<hbm>>
    tpu.enqueue_indirect_dma source(%dma_start3A_362 : memref<1024x64xf32, #tpu.memory_space<hbm>>) target(%dma_start3A_356 : memref<128x64xf32, #tpu.memory_space<vmem>>) offsets(%dma_start3A_359 : memref<128xi32, #tpu.memory_space<vmem>>) semaphore(%arg7 : memref<!tpu.dma_semaphore, #tpu.memory_space<semaphore_mem>>)
    %dma_wait3A_363 = arith.constant 6 : i32
    %dma_wait3A_364 = arith.constant 2 : i32
    %dma_wait3A_365 = arith.constant 0 : i32
    %dma_wait3A_366 = arith.constant 0 : i32
    %dma_wait3A_367 = tpu.memref_slice %arg6[%dma_wait3A_364, %dma_wait3A_365, %dma_wait3A_366] : memref<4x128x64xf32, #tpu.memory_space<vmem>> -> memref<1x128x64xf32, #tpu.memory_space<vmem>>
    %dma_wait3A_368 = tpu.memref_squeeze %dma_wait3A_367 : memref<1x128x64xf32, #tpu.memory_space<vmem>> -> memref<128x64xf32, #tpu.memory_space<vmem>>
    %dma_wait3A_369 = arith.constant 0 : i32
    %dma_wait3A_370 = tpu.memref_slice %arg5[%dma_wait3A_363, %dma_wait3A_369] : memref<18x128xi32, #tpu.memory_space<vmem>> -> memref<1x128xi32, #tpu.memory_space<vmem>>
    %dma_wait3A_371 = tpu.memref_squeeze %dma_wait3A_370 : memref<1x128xi32, #tpu.memory_space<vmem>> -> memref<128xi32, #tpu.memory_space<vmem>>
    %dma_wait3A_372 = arith.constant 0 : i32
    %dma_wait3A_373 = arith.constant 0 : i32
    %dma_wait3A_374 = tpu.memref_slice %arg2[%dma_wait3A_372, %dma_wait3A_373] : memref<1024x64xf32, #tpu.memory_space<hbm>> -> memref<1024x64xf32, #tpu.memory_space<hbm>>
    tpu.wait_indirect_dma semaphore(%arg7 : memref<!tpu.dma_semaphore, #tpu.memory_space<semaphore_mem>>) src(%dma_wait3A_374 : memref<1024x64xf32, #tpu.memory_space<hbm>>) dst(%dma_wait3A_368 : memref<128x64xf32, #tpu.memory_space<vmem>>)
    %add3A_375 = arith.constant 768 : i32
    %add3A_376 = arith.addi %mul3A_2, %add3A_375 : i32
    %dma_start3A_377 = arith.constant 2 : i32
    %dma_start3A_378 = arith.constant 0 : i32
    %dma_start3A_379 = arith.constant 0 : i32
    %dma_start3A_380 = tpu.memref_slice %arg6[%dma_start3A_377, %dma_start3A_378, %dma_start3A_379] : memref<4x128x64xf32, #tpu.memory_space<vmem>> -> memref<1x128x64xf32, #tpu.memory_space<vmem>>
    %dma_start3A_381 = tpu.memref_squeeze %dma_start3A_380 : memref<1x128x64xf32, #tpu.memory_space<vmem>> -> memref<128x64xf32, #tpu.memory_space<vmem>>
    %dma_start3A_382 = arith.constant 0 : i32
    %dma_start3A_383 = tpu.memref_slice %arg4[%add3A_376, %dma_start3A_382] : memref<73728x64xf32, #tpu.memory_space<hbm>> -> memref<128x64xf32, #tpu.memory_space<hbm>>
    %dma_start3A_384 = arith.constant 0 : i32
    %dma_start3A_385 = tpu.memref_slice %arg4[%add3A_376, %dma_start3A_384] : memref<73728x64xf32, #tpu.memory_space<hbm>> -> memref<128x64xf32, #tpu.memory_space<hbm>>
    %dma_start3A_386 = arith.constant 0 : i32
    %dma_start3A_387 = arith.constant 0 : i32
    %dma_start3A_388 = tpu.memref_slice %arg6[%dma_start3A_377, %dma_start3A_386, %dma_start3A_387] : memref<4x128x64xf32, #tpu.memory_space<vmem>> -> memref<1x128x64xf32, #tpu.memory_space<vmem>>
    %dma_start3A_389 = tpu.memref_squeeze %dma_start3A_388 : memref<1x128x64xf32, #tpu.memory_space<vmem>> -> memref<128x64xf32, #tpu.memory_space<vmem>>
    tpu.enqueue_dma source(%dma_start3A_389 : memref<128x64xf32, #tpu.memory_space<vmem>>) target(%dma_start3A_385 : memref<128x64xf32, #tpu.memory_space<hbm>>) target_semaphore(%arg8 : memref<!tpu.dma_semaphore, #tpu.memory_space<semaphore_mem>>)
    %dma_wait3A_390 = arith.constant 2 : i32
    %dma_wait3A_391 = arith.constant 0 : i32
    %dma_wait3A_392 = arith.constant 0 : i32
    %dma_wait3A_393 = tpu.memref_slice %arg6[%dma_wait3A_390, %dma_wait3A_391, %dma_wait3A_392] : memref<4x128x64xf32, #tpu.memory_space<vmem>> -> memref<1x128x64xf32, #tpu.memory_space<vmem>>
    %dma_wait3A_394 = tpu.memref_squeeze %dma_wait3A_393 : memref<1x128x64xf32, #tpu.memory_space<vmem>> -> memref<128x64xf32, #tpu.memory_space<vmem>>
    %dma_wait3A_395 = arith.constant 0 : i32
    %dma_wait3A_396 = tpu.memref_slice %arg4[%add3A_376, %dma_wait3A_395] : memref<73728x64xf32, #tpu.memory_space<hbm>> -> memref<128x64xf32, #tpu.memory_space<hbm>>
    %dma_wait3A_397 = arith.constant 0 : i32
    %dma_wait3A_398 = tpu.memref_slice %arg4[%add3A_376, %dma_wait3A_397] : memref<73728x64xf32, #tpu.memory_space<hbm>> -> memref<128x64xf32, #tpu.memory_space<hbm>>
    %dma_wait3A_399 = arith.constant 0 : i32
    %dma_wait3A_400 = arith.constant 0 : i32
    %dma_wait3A_401 = tpu.memref_slice %arg6[%dma_wait3A_390, %dma_wait3A_399, %dma_wait3A_400] : memref<4x128x64xf32, #tpu.memory_space<vmem>> -> memref<1x128x64xf32, #tpu.memory_space<vmem>>
    %dma_wait3A_402 = tpu.memref_squeeze %dma_wait3A_401 : memref<1x128x64xf32, #tpu.memory_space<vmem>> -> memref<128x64xf32, #tpu.memory_space<vmem>>
    tpu.wait_dma2 semaphore(%arg8 : memref<!tpu.dma_semaphore, #tpu.memory_space<semaphore_mem>>) src(%dma_wait3A_402 : memref<128x64xf32, #tpu.memory_space<vmem>>) dst(%dma_wait3A_398 : memref<128x64xf32, #tpu.memory_space<hbm>>)
    %dma_start3A_403 = arith.constant 10 : i32
    %dma_start3A_404 = arith.constant 2 : i32
    %dma_start3A_405 = arith.constant 0 : i32
    %dma_start3A_406 = arith.constant 0 : i32
    %dma_start3A_407 = tpu.memref_slice %arg6[%dma_start3A_404, %dma_start3A_405, %dma_start3A_406] : memref<4x128x64xf32, #tpu.memory_space<vmem>> -> memref<1x128x64xf32, #tpu.memory_space<vmem>>
    %dma_start3A_408 = tpu.memref_squeeze %dma_start3A_407 : memref<1x128x64xf32, #tpu.memory_space<vmem>> -> memref<128x64xf32, #tpu.memory_space<vmem>>
    %dma_start3A_409 = arith.constant 0 : i32
    %dma_start3A_410 = tpu.memref_slice %arg5[%dma_start3A_403, %dma_start3A_409] : memref<18x128xi32, #tpu.memory_space<vmem>> -> memref<1x128xi32, #tpu.memory_space<vmem>>
    %dma_start3A_411 = tpu.memref_squeeze %dma_start3A_410 : memref<1x128xi32, #tpu.memory_space<vmem>> -> memref<128xi32, #tpu.memory_space<vmem>>
    %dma_start3A_412 = arith.constant 0 : i32
    %dma_start3A_413 = arith.constant 0 : i32
    %dma_start3A_414 = tpu.memref_slice %arg2[%dma_start3A_412, %dma_start3A_413] : memref<1024x64xf32, #tpu.memory_space<hbm>> -> memref<1024x64xf32, #tpu.memory_space<hbm>>
    tpu.enqueue_indirect_dma source(%dma_start3A_414 : memref<1024x64xf32, #tpu.memory_space<hbm>>) target(%dma_start3A_408 : memref<128x64xf32, #tpu.memory_space<vmem>>) offsets(%dma_start3A_411 : memref<128xi32, #tpu.memory_space<vmem>>) semaphore(%arg7 : memref<!tpu.dma_semaphore, #tpu.memory_space<semaphore_mem>>)
    %dma_wait3A_415 = arith.constant 7 : i32
    %dma_wait3A_416 = arith.constant 3 : i32
    %dma_wait3A_417 = arith.constant 0 : i32
    %dma_wait3A_418 = arith.constant 0 : i32
    %dma_wait3A_419 = tpu.memref_slice %arg6[%dma_wait3A_416, %dma_wait3A_417, %dma_wait3A_418] : memref<4x128x64xf32, #tpu.memory_space<vmem>> -> memref<1x128x64xf32, #tpu.memory_space<vmem>>
    %dma_wait3A_420 = tpu.memref_squeeze %dma_wait3A_419 : memref<1x128x64xf32, #tpu.memory_space<vmem>> -> memref<128x64xf32, #tpu.memory_space<vmem>>
    %dma_wait3A_421 = arith.constant 0 : i32
    %dma_wait3A_422 = tpu.memref_slice %arg5[%dma_wait3A_415, %dma_wait3A_421] : memref<18x128xi32, #tpu.memory_space<vmem>> -> memref<1x128xi32, #tpu.memory_space<vmem>>
    %dma_wait3A_423 = tpu.memref_squeeze %dma_wait3A_422 : memref<1x128xi32, #tpu.memory_space<vmem>> -> memref<128xi32, #tpu.memory_space<vmem>>
    %dma_wait3A_424 = arith.constant 0 : i32
    %dma_wait3A_425 = arith.constant 0 : i32
    %dma_wait3A_426 = tpu.memref_slice %arg2[%dma_wait3A_424, %dma_wait3A_425] : memref<1024x64xf32, #tpu.memory_space<hbm>> -> memref<1024x64xf32, #tpu.memory_space<hbm>>
    tpu.wait_indirect_dma semaphore(%arg7 : memref<!tpu.dma_semaphore, #tpu.memory_space<semaphore_mem>>) src(%dma_wait3A_426 : memref<1024x64xf32, #tpu.memory_space<hbm>>) dst(%dma_wait3A_420 : memref<128x64xf32, #tpu.memory_space<vmem>>)
    %add3A_427 = arith.constant 896 : i32
    %add3A_428 = arith.addi %mul3A_2, %add3A_427 : i32
    %dma_start3A_429 = arith.constant 3 : i32
    %dma_start3A_430 = arith.constant 0 : i32
    %dma_start3A_431 = arith.constant 0 : i32
    %dma_start3A_432 = tpu.memref_slice %arg6[%dma_start3A_429, %dma_start3A_430, %dma_start3A_431] : memref<4x128x64xf32, #tpu.memory_space<vmem>> -> memref<1x128x64xf32, #tpu.memory_space<vmem>>
    %dma_start3A_433 = tpu.memref_squeeze %dma_start3A_432 : memref<1x128x64xf32, #tpu.memory_space<vmem>> -> memref<128x64xf32, #tpu.memory_space<vmem>>
    %dma_start3A_434 = arith.constant 0 : i32
    %dma_start3A_435 = tpu.memref_slice %arg4[%add3A_428, %dma_start3A_434] : memref<73728x64xf32, #tpu.memory_space<hbm>> -> memref<128x64xf32, #tpu.memory_space<hbm>>
    %dma_start3A_436 = arith.constant 0 : i32
    %dma_start3A_437 = tpu.memref_slice %arg4[%add3A_428, %dma_start3A_436] : memref<73728x64xf32, #tpu.memory_space<hbm>> -> memref<128x64xf32, #tpu.memory_space<hbm>>
    %dma_start3A_438 = arith.constant 0 : i32
    %dma_start3A_439 = arith.constant 0 : i32
    %dma_start3A_440 = tpu.memref_slice %arg6[%dma_start3A_429, %dma_start3A_438, %dma_start3A_439] : memref<4x128x64xf32, #tpu.memory_space<vmem>> -> memref<1x128x64xf32, #tpu.memory_space<vmem>>
    %dma_start3A_441 = tpu.memref_squeeze %dma_start3A_440 : memref<1x128x64xf32, #tpu.memory_space<vmem>> -> memref<128x64xf32, #tpu.memory_space<vmem>>
    tpu.enqueue_dma source(%dma_start3A_441 : memref<128x64xf32, #tpu.memory_space<vmem>>) target(%dma_start3A_437 : memref<128x64xf32, #tpu.memory_space<hbm>>) target_semaphore(%arg8 : memref<!tpu.dma_semaphore, #tpu.memory_space<semaphore_mem>>)
    %dma_wait3A_442 = arith.constant 3 : i32
    %dma_wait3A_443 = arith.constant 0 : i32
    %dma_wait3A_444 = arith.constant 0 : i32
    %dma_wait3A_445 = tpu.memref_slice %arg6[%dma_wait3A_442, %dma_wait3A_443, %dma_wait3A_444] : memref<4x128x64xf32, #tpu.memory_space<vmem>> -> memref<1x128x64xf32, #tpu.memory_space<vmem>>
    %dma_wait3A_446 = tpu.memref_squeeze %dma_wait3A_445 : memref<1x128x64xf32, #tpu.memory_space<vmem>> -> memref<128x64xf32, #tpu.memory_space<vmem>>
    %dma_wait3A_447 = arith.constant 0 : i32
    %dma_wait3A_448 = tpu.memref_slice %arg4[%add3A_428, %dma_wait3A_447] : memref<73728x64xf32, #tpu.memory_space<hbm>> -> memref<128x64xf32, #tpu.memory_space<hbm>>
    %dma_wait3A_449 = arith.constant 0 : i32
    %dma_wait3A_450 = tpu.memref_slice %arg4[%add3A_428, %dma_wait3A_449] : memref<73728x64xf32, #tpu.memory_space<hbm>> -> memref<128x64xf32, #tpu.memory_space<hbm>>
    %dma_wait3A_451 = arith.constant 0 : i32
    %dma_wait3A_452 = arith.constant 0 : i32
    %dma_wait3A_453 = tpu.memref_slice %arg6[%dma_wait3A_442, %dma_wait3A_451, %dma_wait3A_452] : memref<4x128x64xf32, #tpu.memory_space<vmem>> -> memref<1x128x64xf32, #tpu.memory_space<vmem>>
    %dma_wait3A_454 = tpu.memref_squeeze %dma_wait3A_453 : memref<1x128x64xf32, #tpu.memory_space<vmem>> -> memref<128x64xf32, #tpu.memory_space<vmem>>
    tpu.wait_dma2 semaphore(%arg8 : memref<!tpu.dma_semaphore, #tpu.memory_space<semaphore_mem>>) src(%dma_wait3A_454 : memref<128x64xf32, #tpu.memory_space<vmem>>) dst(%dma_wait3A_450 : memref<128x64xf32, #tpu.memory_space<hbm>>)
    %dma_start3A_455 = arith.constant 11 : i32
    %dma_start3A_456 = arith.constant 3 : i32
    %dma_start3A_457 = arith.constant 0 : i32
    %dma_start3A_458 = arith.constant 0 : i32
    %dma_start3A_459 = tpu.memref_slice %arg6[%dma_start3A_456, %dma_start3A_457, %dma_start3A_458] : memref<4x128x64xf32, #tpu.memory_space<vmem>> -> memref<1x128x64xf32, #tpu.memory_space<vmem>>
    %dma_start3A_460 = tpu.memref_squeeze %dma_start3A_459 : memref<1x128x64xf32, #tpu.memory_space<vmem>> -> memref<128x64xf32, #tpu.memory_space<vmem>>
    %dma_start3A_461 = arith.constant 0 : i32
    %dma_start3A_462 = tpu.memref_slice %arg5[%dma_start3A_455, %dma_start3A_461] : memref<18x128xi32, #tpu.memory_space<vmem>> -> memref<1x128xi32, #tpu.memory_space<vmem>>
    %dma_start3A_463 = tpu.memref_squeeze %dma_start3A_462 : memref<1x128xi32, #tpu.memory_space<vmem>> -> memref<128xi32, #tpu.memory_space<vmem>>
    %dma_start3A_464 = arith.constant 0 : i32
    %dma_start3A_465 = arith.constant 0 : i32
    %dma_start3A_466 = tpu.memref_slice %arg2[%dma_start3A_464, %dma_start3A_465] : memref<1024x64xf32, #tpu.memory_space<hbm>> -> memref<1024x64xf32, #tpu.memory_space<hbm>>
    tpu.enqueue_indirect_dma source(%dma_start3A_466 : memref<1024x64xf32, #tpu.memory_space<hbm>>) target(%dma_start3A_460 : memref<128x64xf32, #tpu.memory_space<vmem>>) offsets(%dma_start3A_463 : memref<128xi32, #tpu.memory_space<vmem>>) semaphore(%arg7 : memref<!tpu.dma_semaphore, #tpu.memory_space<semaphore_mem>>)
    %dma_wait3A_467 = arith.constant 8 : i32
    %dma_wait3A_468 = arith.constant 0 : i32
    %dma_wait3A_469 = arith.constant 0 : i32
    %dma_wait3A_470 = arith.constant 0 : i32
    %dma_wait3A_471 = tpu.memref_slice %arg6[%dma_wait3A_468, %dma_wait3A_469, %dma_wait3A_470] : memref<4x128x64xf32, #tpu.memory_space<vmem>> -> memref<1x128x64xf32, #tpu.memory_space<vmem>>
    %dma_wait3A_472 = tpu.memref_squeeze %dma_wait3A_471 : memref<1x128x64xf32, #tpu.memory_space<vmem>> -> memref<128x64xf32, #tpu.memory_space<vmem>>
    %dma_wait3A_473 = arith.constant 0 : i32
    %dma_wait3A_474 = tpu.memref_slice %arg5[%dma_wait3A_467, %dma_wait3A_473] : memref<18x128xi32, #tpu.memory_space<vmem>> -> memref<1x128xi32, #tpu.memory_space<vmem>>
    %dma_wait3A_475 = tpu.memref_squeeze %dma_wait3A_474 : memref<1x128xi32, #tpu.memory_space<vmem>> -> memref<128xi32, #tpu.memory_space<vmem>>
    %dma_wait3A_476 = arith.constant 0 : i32
    %dma_wait3A_477 = arith.constant 0 : i32
    %dma_wait3A_478 = tpu.memref_slice %arg2[%dma_wait3A_476, %dma_wait3A_477] : memref<1024x64xf32, #tpu.memory_space<hbm>> -> memref<1024x64xf32, #tpu.memory_space<hbm>>
    tpu.wait_indirect_dma semaphore(%arg7 : memref<!tpu.dma_semaphore, #tpu.memory_space<semaphore_mem>>) src(%dma_wait3A_478 : memref<1024x64xf32, #tpu.memory_space<hbm>>) dst(%dma_wait3A_472 : memref<128x64xf32, #tpu.memory_space<vmem>>)
    %add3A_479 = arith.constant 1024 : i32
    %add3A_480 = arith.addi %mul3A_2, %add3A_479 : i32
    %dma_start3A_481 = arith.constant 0 : i32
    %dma_start3A_482 = arith.constant 0 : i32
    %dma_start3A_483 = arith.constant 0 : i32
    %dma_start3A_484 = tpu.memref_slice %arg6[%dma_start3A_481, %dma_start3A_482, %dma_start3A_483] : memref<4x128x64xf32, #tpu.memory_space<vmem>> -> memref<1x128x64xf32, #tpu.memory_space<vmem>>
    %dma_start3A_485 = tpu.memref_squeeze %dma_start3A_484 : memref<1x128x64xf32, #tpu.memory_space<vmem>> -> memref<128x64xf32, #tpu.memory_space<vmem>>
    %dma_start3A_486 = arith.constant 0 : i32
    %dma_start3A_487 = tpu.memref_slice %arg4[%add3A_480, %dma_start3A_486] : memref<73728x64xf32, #tpu.memory_space<hbm>> -> memref<128x64xf32, #tpu.memory_space<hbm>>
    %dma_start3A_488 = arith.constant 0 : i32
    %dma_start3A_489 = tpu.memref_slice %arg4[%add3A_480, %dma_start3A_488] : memref<73728x64xf32, #tpu.memory_space<hbm>> -> memref<128x64xf32, #tpu.memory_space<hbm>>
    %dma_start3A_490 = arith.constant 0 : i32
    %dma_start3A_491 = arith.constant 0 : i32
    %dma_start3A_492 = tpu.memref_slice %arg6[%dma_start3A_481, %dma_start3A_490, %dma_start3A_491] : memref<4x128x64xf32, #tpu.memory_space<vmem>> -> memref<1x128x64xf32, #tpu.memory_space<vmem>>
    %dma_start3A_493 = tpu.memref_squeeze %dma_start3A_492 : memref<1x128x64xf32, #tpu.memory_space<vmem>> -> memref<128x64xf32, #tpu.memory_space<vmem>>
    tpu.enqueue_dma source(%dma_start3A_493 : memref<128x64xf32, #tpu.memory_space<vmem>>) target(%dma_start3A_489 : memref<128x64xf32, #tpu.memory_space<hbm>>) target_semaphore(%arg8 : memref<!tpu.dma_semaphore, #tpu.memory_space<semaphore_mem>>)
    %dma_wait3A_494 = arith.constant 0 : i32
    %dma_wait3A_495 = arith.constant 0 : i32
    %dma_wait3A_496 = arith.constant 0 : i32
    %dma_wait3A_497 = tpu.memref_slice %arg6[%dma_wait3A_494, %dma_wait3A_495, %dma_wait3A_496] : memref<4x128x64xf32, #tpu.memory_space<vmem>> -> memref<1x128x64xf32, #tpu.memory_space<vmem>>
    %dma_wait3A_498 = tpu.memref_squeeze %dma_wait3A_497 : memref<1x128x64xf32, #tpu.memory_space<vmem>> -> memref<128x64xf32, #tpu.memory_space<vmem>>
    %dma_wait3A_499 = arith.constant 0 : i32
    %dma_wait3A_500 = tpu.memref_slice %arg4[%add3A_480, %dma_wait3A_499] : memref<73728x64xf32, #tpu.memory_space<hbm>> -> memref<128x64xf32, #tpu.memory_space<hbm>>
    %dma_wait3A_501 = arith.constant 0 : i32
    %dma_wait3A_502 = tpu.memref_slice %arg4[%add3A_480, %dma_wait3A_501] : memref<73728x64xf32, #tpu.memory_space<hbm>> -> memref<128x64xf32, #tpu.memory_space<hbm>>
    %dma_wait3A_503 = arith.constant 0 : i32
    %dma_wait3A_504 = arith.constant 0 : i32
    %dma_wait3A_505 = tpu.memref_slice %arg6[%dma_wait3A_494, %dma_wait3A_503, %dma_wait3A_504] : memref<4x128x64xf32, #tpu.memory_space<vmem>> -> memref<1x128x64xf32, #tpu.memory_space<vmem>>
    %dma_wait3A_506 = tpu.memref_squeeze %dma_wait3A_505 : memref<1x128x64xf32, #tpu.memory_space<vmem>> -> memref<128x64xf32, #tpu.memory_space<vmem>>
    tpu.wait_dma2 semaphore(%arg8 : memref<!tpu.dma_semaphore, #tpu.memory_space<semaphore_mem>>) src(%dma_wait3A_506 : memref<128x64xf32, #tpu.memory_space<vmem>>) dst(%dma_wait3A_502 : memref<128x64xf32, #tpu.memory_space<hbm>>)
    %dma_start3A_507 = arith.constant 12 : i32
    %dma_start3A_508 = arith.constant 0 : i32
    %dma_start3A_509 = arith.constant 0 : i32
    %dma_start3A_510 = arith.constant 0 : i32
    %dma_start3A_511 = tpu.memref_slice %arg6[%dma_start3A_508, %dma_start3A_509, %dma_start3A_510] : memref<4x128x64xf32, #tpu.memory_space<vmem>> -> memref<1x128x64xf32, #tpu.memory_space<vmem>>
    %dma_start3A_512 = tpu.memref_squeeze %dma_start3A_511 : memref<1x128x64xf32, #tpu.memory_space<vmem>> -> memref<128x64xf32, #tpu.memory_space<vmem>>
    %dma_start3A_513 = arith.constant 0 : i32
    %dma_start3A_514 = tpu.memref_slice %arg5[%dma_start3A_507, %dma_start3A_513] : memref<18x128xi32, #tpu.memory_space<vmem>> -> memref<1x128xi32, #tpu.memory_space<vmem>>
    %dma_start3A_515 = tpu.memref_squeeze %dma_start3A_514 : memref<1x128xi32, #tpu.memory_space<vmem>> -> memref<128xi32, #tpu.memory_space<vmem>>
    %dma_start3A_516 = arith.constant 0 : i32
    %dma_start3A_517 = arith.constant 0 : i32
    %dma_start3A_518 = tpu.memref_slice %arg2[%dma_start3A_516, %dma_start3A_517] : memref<1024x64xf32, #tpu.memory_space<hbm>> -> memref<1024x64xf32, #tpu.memory_space<hbm>>
    tpu.enqueue_indirect_dma source(%dma_start3A_518 : memref<1024x64xf32, #tpu.memory_space<hbm>>) target(%dma_start3A_512 : memref<128x64xf32, #tpu.memory_space<vmem>>) offsets(%dma_start3A_515 : memref<128xi32, #tpu.memory_space<vmem>>) semaphore(%arg7 : memref<!tpu.dma_semaphore, #tpu.memory_space<semaphore_mem>>)
    %dma_wait3A_519 = arith.constant 9 : i32
    %dma_wait3A_520 = arith.constant 1 : i32
    %dma_wait3A_521 = arith.constant 0 : i32
    %dma_wait3A_522 = arith.constant 0 : i32
    %dma_wait3A_523 = tpu.memref_slice %arg6[%dma_wait3A_520, %dma_wait3A_521, %dma_wait3A_522] : memref<4x128x64xf32, #tpu.memory_space<vmem>> -> memref<1x128x64xf32, #tpu.memory_space<vmem>>
    %dma_wait3A_524 = tpu.memref_squeeze %dma_wait3A_523 : memref<1x128x64xf32, #tpu.memory_space<vmem>> -> memref<128x64xf32, #tpu.memory_space<vmem>>
    %dma_wait3A_525 = arith.constant 0 : i32
    %dma_wait3A_526 = tpu.memref_slice %arg5[%dma_wait3A_519, %dma_wait3A_525] : memref<18x128xi32, #tpu.memory_space<vmem>> -> memref<1x128xi32, #tpu.memory_space<vmem>>
    %dma_wait3A_527 = tpu.memref_squeeze %dma_wait3A_526 : memref<1x128xi32, #tpu.memory_space<vmem>> -> memref<128xi32, #tpu.memory_space<vmem>>
    %dma_wait3A_528 = arith.constant 0 : i32
    %dma_wait3A_529 = arith.constant 0 : i32
    %dma_wait3A_530 = tpu.memref_slice %arg2[%dma_wait3A_528, %dma_wait3A_529] : memref<1024x64xf32, #tpu.memory_space<hbm>> -> memref<1024x64xf32, #tpu.memory_space<hbm>>
    tpu.wait_indirect_dma semaphore(%arg7 : memref<!tpu.dma_semaphore, #tpu.memory_space<semaphore_mem>>) src(%dma_wait3A_530 : memref<1024x64xf32, #tpu.memory_space<hbm>>) dst(%dma_wait3A_524 : memref<128x64xf32, #tpu.memory_space<vmem>>)
    %add3A_531 = arith.constant 1152 : i32
    %add3A_532 = arith.addi %mul3A_2, %add3A_531 : i32
    %dma_start3A_533 = arith.constant 1 : i32
    %dma_start3A_534 = arith.constant 0 : i32
    %dma_start3A_535 = arith.constant 0 : i32
    %dma_start3A_536 = tpu.memref_slice %arg6[%dma_start3A_533, %dma_start3A_534, %dma_start3A_535] : memref<4x128x64xf32, #tpu.memory_space<vmem>> -> memref<1x128x64xf32, #tpu.memory_space<vmem>>
    %dma_start3A_537 = tpu.memref_squeeze %dma_start3A_536 : memref<1x128x64xf32, #tpu.memory_space<vmem>> -> memref<128x64xf32, #tpu.memory_space<vmem>>
    %dma_start3A_538 = arith.constant 0 : i32
    %dma_start3A_539 = tpu.memref_slice %arg4[%add3A_532, %dma_start3A_538] : memref<73728x64xf32, #tpu.memory_space<hbm>> -> memref<128x64xf32, #tpu.memory_space<hbm>>
    %dma_start3A_540 = arith.constant 0 : i32
    %dma_start3A_541 = tpu.memref_slice %arg4[%add3A_532, %dma_start3A_540] : memref<73728x64xf32, #tpu.memory_space<hbm>> -> memref<128x64xf32, #tpu.memory_space<hbm>>
    %dma_start3A_542 = arith.constant 0 : i32
    %dma_start3A_543 = arith.constant 0 : i32
    %dma_start3A_544 = tpu.memref_slice %arg6[%dma_start3A_533, %dma_start3A_542, %dma_start3A_543] : memref<4x128x64xf32, #tpu.memory_space<vmem>> -> memref<1x128x64xf32, #tpu.memory_space<vmem>>
    %dma_start3A_545 = tpu.memref_squeeze %dma_start3A_544 : memref<1x128x64xf32, #tpu.memory_space<vmem>> -> memref<128x64xf32, #tpu.memory_space<vmem>>
    tpu.enqueue_dma source(%dma_start3A_545 : memref<128x64xf32, #tpu.memory_space<vmem>>) target(%dma_start3A_541 : memref<128x64xf32, #tpu.memory_space<hbm>>) target_semaphore(%arg8 : memref<!tpu.dma_semaphore, #tpu.memory_space<semaphore_mem>>)
    %dma_wait3A_546 = arith.constant 1 : i32
    %dma_wait3A_547 = arith.constant 0 : i32
    %dma_wait3A_548 = arith.constant 0 : i32
    %dma_wait3A_549 = tpu.memref_slice %arg6[%dma_wait3A_546, %dma_wait3A_547, %dma_wait3A_548] : memref<4x128x64xf32, #tpu.memory_space<vmem>> -> memref<1x128x64xf32, #tpu.memory_space<vmem>>
    %dma_wait3A_550 = tpu.memref_squeeze %dma_wait3A_549 : memref<1x128x64xf32, #tpu.memory_space<vmem>> -> memref<128x64xf32, #tpu.memory_space<vmem>>
    %dma_wait3A_551 = arith.constant 0 : i32
    %dma_wait3A_552 = tpu.memref_slice %arg4[%add3A_532, %dma_wait3A_551] : memref<73728x64xf32, #tpu.memory_space<hbm>> -> memref<128x64xf32, #tpu.memory_space<hbm>>
    %dma_wait3A_553 = arith.constant 0 : i32
    %dma_wait3A_554 = tpu.memref_slice %arg4[%add3A_532, %dma_wait3A_553] : memref<73728x64xf32, #tpu.memory_space<hbm>> -> memref<128x64xf32, #tpu.memory_space<hbm>>
    %dma_wait3A_555 = arith.constant 0 : i32
    %dma_wait3A_556 = arith.constant 0 : i32
    %dma_wait3A_557 = tpu.memref_slice %arg6[%dma_wait3A_546, %dma_wait3A_555, %dma_wait3A_556] : memref<4x128x64xf32, #tpu.memory_space<vmem>> -> memref<1x128x64xf32, #tpu.memory_space<vmem>>
    %dma_wait3A_558 = tpu.memref_squeeze %dma_wait3A_557 : memref<1x128x64xf32, #tpu.memory_space<vmem>> -> memref<128x64xf32, #tpu.memory_space<vmem>>
    tpu.wait_dma2 semaphore(%arg8 : memref<!tpu.dma_semaphore, #tpu.memory_space<semaphore_mem>>) src(%dma_wait3A_558 : memref<128x64xf32, #tpu.memory_space<vmem>>) dst(%dma_wait3A_554 : memref<128x64xf32, #tpu.memory_space<hbm>>)
    %dma_start3A_559 = arith.constant 13 : i32
    %dma_start3A_560 = arith.constant 1 : i32
    %dma_start3A_561 = arith.constant 0 : i32
    %dma_start3A_562 = arith.constant 0 : i32
    %dma_start3A_563 = tpu.memref_slice %arg6[%dma_start3A_560, %dma_start3A_561, %dma_start3A_562] : memref<4x128x64xf32, #tpu.memory_space<vmem>> -> memref<1x128x64xf32, #tpu.memory_space<vmem>>
    %dma_start3A_564 = tpu.memref_squeeze %dma_start3A_563 : memref<1x128x64xf32, #tpu.memory_space<vmem>> -> memref<128x64xf32, #tpu.memory_space<vmem>>
    %dma_start3A_565 = arith.constant 0 : i32
    %dma_start3A_566 = tpu.memref_slice %arg5[%dma_start3A_559, %dma_start3A_565] : memref<18x128xi32, #tpu.memory_space<vmem>> -> memref<1x128xi32, #tpu.memory_space<vmem>>
    %dma_start3A_567 = tpu.memref_squeeze %dma_start3A_566 : memref<1x128xi32, #tpu.memory_space<vmem>> -> memref<128xi32, #tpu.memory_space<vmem>>
    %dma_start3A_568 = arith.constant 0 : i32
    %dma_start3A_569 = arith.constant 0 : i32
    %dma_start3A_570 = tpu.memref_slice %arg2[%dma_start3A_568, %dma_start3A_569] : memref<1024x64xf32, #tpu.memory_space<hbm>> -> memref<1024x64xf32, #tpu.memory_space<hbm>>
    tpu.enqueue_indirect_dma source(%dma_start3A_570 : memref<1024x64xf32, #tpu.memory_space<hbm>>) target(%dma_start3A_564 : memref<128x64xf32, #tpu.memory_space<vmem>>) offsets(%dma_start3A_567 : memref<128xi32, #tpu.memory_space<vmem>>) semaphore(%arg7 : memref<!tpu.dma_semaphore, #tpu.memory_space<semaphore_mem>>)
    %dma_wait3A_571 = arith.constant 10 : i32
    %dma_wait3A_572 = arith.constant 2 : i32
    %dma_wait3A_573 = arith.constant 0 : i32
    %dma_wait3A_574 = arith.constant 0 : i32
    %dma_wait3A_575 = tpu.memref_slice %arg6[%dma_wait3A_572, %dma_wait3A_573, %dma_wait3A_574] : memref<4x128x64xf32, #tpu.memory_space<vmem>> -> memref<1x128x64xf32, #tpu.memory_space<vmem>>
    %dma_wait3A_576 = tpu.memref_squeeze %dma_wait3A_575 : memref<1x128x64xf32, #tpu.memory_space<vmem>> -> memref<128x64xf32, #tpu.memory_space<vmem>>
    %dma_wait3A_577 = arith.constant 0 : i32
    %dma_wait3A_578 = tpu.memref_slice %arg5[%dma_wait3A_571, %dma_wait3A_577] : memref<18x128xi32, #tpu.memory_space<vmem>> -> memref<1x128xi32, #tpu.memory_space<vmem>>
    %dma_wait3A_579 = tpu.memref_squeeze %dma_wait3A_578 : memref<1x128xi32, #tpu.memory_space<vmem>> -> memref<128xi32, #tpu.memory_space<vmem>>
    %dma_wait3A_580 = arith.constant 0 : i32
    %dma_wait3A_581 = arith.constant 0 : i32
    %dma_wait3A_582 = tpu.memref_slice %arg2[%dma_wait3A_580, %dma_wait3A_581] : memref<1024x64xf32, #tpu.memory_space<hbm>> -> memref<1024x64xf32, #tpu.memory_space<hbm>>
    tpu.wait_indirect_dma semaphore(%arg7 : memref<!tpu.dma_semaphore, #tpu.memory_space<semaphore_mem>>) src(%dma_wait3A_582 : memref<1024x64xf32, #tpu.memory_space<hbm>>) dst(%dma_wait3A_576 : memref<128x64xf32, #tpu.memory_space<vmem>>)
    %add3A_583 = arith.constant 1280 : i32
    %add3A_584 = arith.addi %mul3A_2, %add3A_583 : i32
    %dma_start3A_585 = arith.constant 2 : i32
    %dma_start3A_586 = arith.constant 0 : i32
    %dma_start3A_587 = arith.constant 0 : i32
    %dma_start3A_588 = tpu.memref_slice %arg6[%dma_start3A_585, %dma_start3A_586, %dma_start3A_587] : memref<4x128x64xf32, #tpu.memory_space<vmem>> -> memref<1x128x64xf32, #tpu.memory_space<vmem>>
    %dma_start3A_589 = tpu.memref_squeeze %dma_start3A_588 : memref<1x128x64xf32, #tpu.memory_space<vmem>> -> memref<128x64xf32, #tpu.memory_space<vmem>>
    %dma_start3A_590 = arith.constant 0 : i32
    %dma_start3A_591 = tpu.memref_slice %arg4[%add3A_584, %dma_start3A_590] : memref<73728x64xf32, #tpu.memory_space<hbm>> -> memref<128x64xf32, #tpu.memory_space<hbm>>
    %dma_start3A_592 = arith.constant 0 : i32
    %dma_start3A_593 = tpu.memref_slice %arg4[%add3A_584, %dma_start3A_592] : memref<73728x64xf32, #tpu.memory_space<hbm>> -> memref<128x64xf32, #tpu.memory_space<hbm>>
    %dma_start3A_594 = arith.constant 0 : i32
    %dma_start3A_595 = arith.constant 0 : i32
    %dma_start3A_596 = tpu.memref_slice %arg6[%dma_start3A_585, %dma_start3A_594, %dma_start3A_595] : memref<4x128x64xf32, #tpu.memory_space<vmem>> -> memref<1x128x64xf32, #tpu.memory_space<vmem>>
    %dma_start3A_597 = tpu.memref_squeeze %dma_start3A_596 : memref<1x128x64xf32, #tpu.memory_space<vmem>> -> memref<128x64xf32, #tpu.memory_space<vmem>>
    tpu.enqueue_dma source(%dma_start3A_597 : memref<128x64xf32, #tpu.memory_space<vmem>>) target(%dma_start3A_593 : memref<128x64xf32, #tpu.memory_space<hbm>>) target_semaphore(%arg8 : memref<!tpu.dma_semaphore, #tpu.memory_space<semaphore_mem>>)
    %dma_wait3A_598 = arith.constant 2 : i32
    %dma_wait3A_599 = arith.constant 0 : i32
    %dma_wait3A_600 = arith.constant 0 : i32
    %dma_wait3A_601 = tpu.memref_slice %arg6[%dma_wait3A_598, %dma_wait3A_599, %dma_wait3A_600] : memref<4x128x64xf32, #tpu.memory_space<vmem>> -> memref<1x128x64xf32, #tpu.memory_space<vmem>>
    %dma_wait3A_602 = tpu.memref_squeeze %dma_wait3A_601 : memref<1x128x64xf32, #tpu.memory_space<vmem>> -> memref<128x64xf32, #tpu.memory_space<vmem>>
    %dma_wait3A_603 = arith.constant 0 : i32
    %dma_wait3A_604 = tpu.memref_slice %arg4[%add3A_584, %dma_wait3A_603] : memref<73728x64xf32, #tpu.memory_space<hbm>> -> memref<128x64xf32, #tpu.memory_space<hbm>>
    %dma_wait3A_605 = arith.constant 0 : i32
    %dma_wait3A_606 = tpu.memref_slice %arg4[%add3A_584, %dma_wait3A_605] : memref<73728x64xf32, #tpu.memory_space<hbm>> -> memref<128x64xf32, #tpu.memory_space<hbm>>
    %dma_wait3A_607 = arith.constant 0 : i32
    %dma_wait3A_608 = arith.constant 0 : i32
    %dma_wait3A_609 = tpu.memref_slice %arg6[%dma_wait3A_598, %dma_wait3A_607, %dma_wait3A_608] : memref<4x128x64xf32, #tpu.memory_space<vmem>> -> memref<1x128x64xf32, #tpu.memory_space<vmem>>
    %dma_wait3A_610 = tpu.memref_squeeze %dma_wait3A_609 : memref<1x128x64xf32, #tpu.memory_space<vmem>> -> memref<128x64xf32, #tpu.memory_space<vmem>>
    tpu.wait_dma2 semaphore(%arg8 : memref<!tpu.dma_semaphore, #tpu.memory_space<semaphore_mem>>) src(%dma_wait3A_610 : memref<128x64xf32, #tpu.memory_space<vmem>>) dst(%dma_wait3A_606 : memref<128x64xf32, #tpu.memory_space<hbm>>)
    %dma_start3A_611 = arith.constant 14 : i32
    %dma_start3A_612 = arith.constant 2 : i32
    %dma_start3A_613 = arith.constant 0 : i32
    %dma_start3A_614 = arith.constant 0 : i32
    %dma_start3A_615 = tpu.memref_slice %arg6[%dma_start3A_612, %dma_start3A_613, %dma_start3A_614] : memref<4x128x64xf32, #tpu.memory_space<vmem>> -> memref<1x128x64xf32, #tpu.memory_space<vmem>>
    %dma_start3A_616 = tpu.memref_squeeze %dma_start3A_615 : memref<1x128x64xf32, #tpu.memory_space<vmem>> -> memref<128x64xf32, #tpu.memory_space<vmem>>
    %dma_start3A_617 = arith.constant 0 : i32
    %dma_start3A_618 = tpu.memref_slice %arg5[%dma_start3A_611, %dma_start3A_617] : memref<18x128xi32, #tpu.memory_space<vmem>> -> memref<1x128xi32, #tpu.memory_space<vmem>>
    %dma_start3A_619 = tpu.memref_squeeze %dma_start3A_618 : memref<1x128xi32, #tpu.memory_space<vmem>> -> memref<128xi32, #tpu.memory_space<vmem>>
    %dma_start3A_620 = arith.constant 0 : i32
    %dma_start3A_621 = arith.constant 0 : i32
    %dma_start3A_622 = tpu.memref_slice %arg2[%dma_start3A_620, %dma_start3A_621] : memref<1024x64xf32, #tpu.memory_space<hbm>> -> memref<1024x64xf32, #tpu.memory_space<hbm>>
    tpu.enqueue_indirect_dma source(%dma_start3A_622 : memref<1024x64xf32, #tpu.memory_space<hbm>>) target(%dma_start3A_616 : memref<128x64xf32, #tpu.memory_space<vmem>>) offsets(%dma_start3A_619 : memref<128xi32, #tpu.memory_space<vmem>>) semaphore(%arg7 : memref<!tpu.dma_semaphore, #tpu.memory_space<semaphore_mem>>)
    %dma_wait3A_623 = arith.constant 11 : i32
    %dma_wait3A_624 = arith.constant 3 : i32
    %dma_wait3A_625 = arith.constant 0 : i32
    %dma_wait3A_626 = arith.constant 0 : i32
    %dma_wait3A_627 = tpu.memref_slice %arg6[%dma_wait3A_624, %dma_wait3A_625, %dma_wait3A_626] : memref<4x128x64xf32, #tpu.memory_space<vmem>> -> memref<1x128x64xf32, #tpu.memory_space<vmem>>
    %dma_wait3A_628 = tpu.memref_squeeze %dma_wait3A_627 : memref<1x128x64xf32, #tpu.memory_space<vmem>> -> memref<128x64xf32, #tpu.memory_space<vmem>>
    %dma_wait3A_629 = arith.constant 0 : i32
    %dma_wait3A_630 = tpu.memref_slice %arg5[%dma_wait3A_623, %dma_wait3A_629] : memref<18x128xi32, #tpu.memory_space<vmem>> -> memref<1x128xi32, #tpu.memory_space<vmem>>
    %dma_wait3A_631 = tpu.memref_squeeze %dma_wait3A_630 : memref<1x128xi32, #tpu.memory_space<vmem>> -> memref<128xi32, #tpu.memory_space<vmem>>
    %dma_wait3A_632 = arith.constant 0 : i32
    %dma_wait3A_633 = arith.constant 0 : i32
    %dma_wait3A_634 = tpu.memref_slice %arg2[%dma_wait3A_632, %dma_wait3A_633] : memref<1024x64xf32, #tpu.memory_space<hbm>> -> memref<1024x64xf32, #tpu.memory_space<hbm>>
    tpu.wait_indirect_dma semaphore(%arg7 : memref<!tpu.dma_semaphore, #tpu.memory_space<semaphore_mem>>) src(%dma_wait3A_634 : memref<1024x64xf32, #tpu.memory_space<hbm>>) dst(%dma_wait3A_628 : memref<128x64xf32, #tpu.memory_space<vmem>>)
    %add3A_635 = arith.constant 1408 : i32
    %add3A_636 = arith.addi %mul3A_2, %add3A_635 : i32
    %dma_start3A_637 = arith.constant 3 : i32
    %dma_start3A_638 = arith.constant 0 : i32
    %dma_start3A_639 = arith.constant 0 : i32
    %dma_start3A_640 = tpu.memref_slice %arg6[%dma_start3A_637, %dma_start3A_638, %dma_start3A_639] : memref<4x128x64xf32, #tpu.memory_space<vmem>> -> memref<1x128x64xf32, #tpu.memory_space<vmem>>
    %dma_start3A_641 = tpu.memref_squeeze %dma_start3A_640 : memref<1x128x64xf32, #tpu.memory_space<vmem>> -> memref<128x64xf32, #tpu.memory_space<vmem>>
    %dma_start3A_642 = arith.constant 0 : i32
    %dma_start3A_643 = tpu.memref_slice %arg4[%add3A_636, %dma_start3A_642] : memref<73728x64xf32, #tpu.memory_space<hbm>> -> memref<128x64xf32, #tpu.memory_space<hbm>>
    %dma_start3A_644 = arith.constant 0 : i32
    %dma_start3A_645 = tpu.memref_slice %arg4[%add3A_636, %dma_start3A_644] : memref<73728x64xf32, #tpu.memory_space<hbm>> -> memref<128x64xf32, #tpu.memory_space<hbm>>
    %dma_start3A_646 = arith.constant 0 : i32
    %dma_start3A_647 = arith.constant 0 : i32
    %dma_start3A_648 = tpu.memref_slice %arg6[%dma_start3A_637, %dma_start3A_646, %dma_start3A_647] : memref<4x128x64xf32, #tpu.memory_space<vmem>> -> memref<1x128x64xf32, #tpu.memory_space<vmem>>
    %dma_start3A_649 = tpu.memref_squeeze %dma_start3A_648 : memref<1x128x64xf32, #tpu.memory_space<vmem>> -> memref<128x64xf32, #tpu.memory_space<vmem>>
    tpu.enqueue_dma source(%dma_start3A_649 : memref<128x64xf32, #tpu.memory_space<vmem>>) target(%dma_start3A_645 : memref<128x64xf32, #tpu.memory_space<hbm>>) target_semaphore(%arg8 : memref<!tpu.dma_semaphore, #tpu.memory_space<semaphore_mem>>)
    %dma_wait3A_650 = arith.constant 3 : i32
    %dma_wait3A_651 = arith.constant 0 : i32
    %dma_wait3A_652 = arith.constant 0 : i32
    %dma_wait3A_653 = tpu.memref_slice %arg6[%dma_wait3A_650, %dma_wait3A_651, %dma_wait3A_652] : memref<4x128x64xf32, #tpu.memory_space<vmem>> -> memref<1x128x64xf32, #tpu.memory_space<vmem>>
    %dma_wait3A_654 = tpu.memref_squeeze %dma_wait3A_653 : memref<1x128x64xf32, #tpu.memory_space<vmem>> -> memref<128x64xf32, #tpu.memory_space<vmem>>
    %dma_wait3A_655 = arith.constant 0 : i32
    %dma_wait3A_656 = tpu.memref_slice %arg4[%add3A_636, %dma_wait3A_655] : memref<73728x64xf32, #tpu.memory_space<hbm>> -> memref<128x64xf32, #tpu.memory_space<hbm>>
    %dma_wait3A_657 = arith.constant 0 : i32
    %dma_wait3A_658 = tpu.memref_slice %arg4[%add3A_636, %dma_wait3A_657] : memref<73728x64xf32, #tpu.memory_space<hbm>> -> memref<128x64xf32, #tpu.memory_space<hbm>>
    %dma_wait3A_659 = arith.constant 0 : i32
    %dma_wait3A_660 = arith.constant 0 : i32
    %dma_wait3A_661 = tpu.memref_slice %arg6[%dma_wait3A_650, %dma_wait3A_659, %dma_wait3A_660] : memref<4x128x64xf32, #tpu.memory_space<vmem>> -> memref<1x128x64xf32, #tpu.memory_space<vmem>>
    %dma_wait3A_662 = tpu.memref_squeeze %dma_wait3A_661 : memref<1x128x64xf32, #tpu.memory_space<vmem>> -> memref<128x64xf32, #tpu.memory_space<vmem>>
    tpu.wait_dma2 semaphore(%arg8 : memref<!tpu.dma_semaphore, #tpu.memory_space<semaphore_mem>>) src(%dma_wait3A_662 : memref<128x64xf32, #tpu.memory_space<vmem>>) dst(%dma_wait3A_658 : memref<128x64xf32, #tpu.memory_space<hbm>>)
    %dma_start3A_663 = arith.constant 15 : i32
    %dma_start3A_664 = arith.constant 3 : i32
    %dma_start3A_665 = arith.constant 0 : i32
    %dma_start3A_666 = arith.constant 0 : i32
    %dma_start3A_667 = tpu.memref_slice %arg6[%dma_start3A_664, %dma_start3A_665, %dma_start3A_666] : memref<4x128x64xf32, #tpu.memory_space<vmem>> -> memref<1x128x64xf32, #tpu.memory_space<vmem>>
    %dma_start3A_668 = tpu.memref_squeeze %dma_start3A_667 : memref<1x128x64xf32, #tpu.memory_space<vmem>> -> memref<128x64xf32, #tpu.memory_space<vmem>>
    %dma_start3A_669 = arith.constant 0 : i32
    %dma_start3A_670 = tpu.memref_slice %arg5[%dma_start3A_663, %dma_start3A_669] : memref<18x128xi32, #tpu.memory_space<vmem>> -> memref<1x128xi32, #tpu.memory_space<vmem>>
    %dma_start3A_671 = tpu.memref_squeeze %dma_start3A_670 : memref<1x128xi32, #tpu.memory_space<vmem>> -> memref<128xi32, #tpu.memory_space<vmem>>
    %dma_start3A_672 = arith.constant 0 : i32
    %dma_start3A_673 = arith.constant 0 : i32
    %dma_start3A_674 = tpu.memref_slice %arg2[%dma_start3A_672, %dma_start3A_673] : memref<1024x64xf32, #tpu.memory_space<hbm>> -> memref<1024x64xf32, #tpu.memory_space<hbm>>
    tpu.enqueue_indirect_dma source(%dma_start3A_674 : memref<1024x64xf32, #tpu.memory_space<hbm>>) target(%dma_start3A_668 : memref<128x64xf32, #tpu.memory_space<vmem>>) offsets(%dma_start3A_671 : memref<128xi32, #tpu.memory_space<vmem>>) semaphore(%arg7 : memref<!tpu.dma_semaphore, #tpu.memory_space<semaphore_mem>>)
    %dma_wait3A_675 = arith.constant 12 : i32
    %dma_wait3A_676 = arith.constant 0 : i32
    %dma_wait3A_677 = arith.constant 0 : i32
    %dma_wait3A_678 = arith.constant 0 : i32
    %dma_wait3A_679 = tpu.memref_slice %arg6[%dma_wait3A_676, %dma_wait3A_677, %dma_wait3A_678] : memref<4x128x64xf32, #tpu.memory_space<vmem>> -> memref<1x128x64xf32, #tpu.memory_space<vmem>>
    %dma_wait3A_680 = tpu.memref_squeeze %dma_wait3A_679 : memref<1x128x64xf32, #tpu.memory_space<vmem>> -> memref<128x64xf32, #tpu.memory_space<vmem>>
    %dma_wait3A_681 = arith.constant 0 : i32
    %dma_wait3A_682 = tpu.memref_slice %arg5[%dma_wait3A_675, %dma_wait3A_681] : memref<18x128xi32, #tpu.memory_space<vmem>> -> memref<1x128xi32, #tpu.memory_space<vmem>>
    %dma_wait3A_683 = tpu.memref_squeeze %dma_wait3A_682 : memref<1x128xi32, #tpu.memory_space<vmem>> -> memref<128xi32, #tpu.memory_space<vmem>>
    %dma_wait3A_684 = arith.constant 0 : i32
    %dma_wait3A_685 = arith.constant 0 : i32
    %dma_wait3A_686 = tpu.memref_slice %arg2[%dma_wait3A_684, %dma_wait3A_685] : memref<1024x64xf32, #tpu.memory_space<hbm>> -> memref<1024x64xf32, #tpu.memory_space<hbm>>
    tpu.wait_indirect_dma semaphore(%arg7 : memref<!tpu.dma_semaphore, #tpu.memory_space<semaphore_mem>>) src(%dma_wait3A_686 : memref<1024x64xf32, #tpu.memory_space<hbm>>) dst(%dma_wait3A_680 : memref<128x64xf32, #tpu.memory_space<vmem>>)
    %add3A_687 = arith.constant 1536 : i32
    %add3A_688 = arith.addi %mul3A_2, %add3A_687 : i32
    %dma_start3A_689 = arith.constant 0 : i32
    %dma_start3A_690 = arith.constant 0 : i32
    %dma_start3A_691 = arith.constant 0 : i32
    %dma_start3A_692 = tpu.memref_slice %arg6[%dma_start3A_689, %dma_start3A_690, %dma_start3A_691] : memref<4x128x64xf32, #tpu.memory_space<vmem>> -> memref<1x128x64xf32, #tpu.memory_space<vmem>>
    %dma_start3A_693 = tpu.memref_squeeze %dma_start3A_692 : memref<1x128x64xf32, #tpu.memory_space<vmem>> -> memref<128x64xf32, #tpu.memory_space<vmem>>
    %dma_start3A_694 = arith.constant 0 : i32
    %dma_start3A_695 = tpu.memref_slice %arg4[%add3A_688, %dma_start3A_694] : memref<73728x64xf32, #tpu.memory_space<hbm>> -> memref<128x64xf32, #tpu.memory_space<hbm>>
    %dma_start3A_696 = arith.constant 0 : i32
    %dma_start3A_697 = tpu.memref_slice %arg4[%add3A_688, %dma_start3A_696] : memref<73728x64xf32, #tpu.memory_space<hbm>> -> memref<128x64xf32, #tpu.memory_space<hbm>>
    %dma_start3A_698 = arith.constant 0 : i32
    %dma_start3A_699 = arith.constant 0 : i32
    %dma_start3A_700 = tpu.memref_slice %arg6[%dma_start3A_689, %dma_start3A_698, %dma_start3A_699] : memref<4x128x64xf32, #tpu.memory_space<vmem>> -> memref<1x128x64xf32, #tpu.memory_space<vmem>>
    %dma_start3A_701 = tpu.memref_squeeze %dma_start3A_700 : memref<1x128x64xf32, #tpu.memory_space<vmem>> -> memref<128x64xf32, #tpu.memory_space<vmem>>
    tpu.enqueue_dma source(%dma_start3A_701 : memref<128x64xf32, #tpu.memory_space<vmem>>) target(%dma_start3A_697 : memref<128x64xf32, #tpu.memory_space<hbm>>) target_semaphore(%arg8 : memref<!tpu.dma_semaphore, #tpu.memory_space<semaphore_mem>>)
    %dma_wait3A_702 = arith.constant 0 : i32
    %dma_wait3A_703 = arith.constant 0 : i32
    %dma_wait3A_704 = arith.constant 0 : i32
    %dma_wait3A_705 = tpu.memref_slice %arg6[%dma_wait3A_702, %dma_wait3A_703, %dma_wait3A_704] : memref<4x128x64xf32, #tpu.memory_space<vmem>> -> memref<1x128x64xf32, #tpu.memory_space<vmem>>
    %dma_wait3A_706 = tpu.memref_squeeze %dma_wait3A_705 : memref<1x128x64xf32, #tpu.memory_space<vmem>> -> memref<128x64xf32, #tpu.memory_space<vmem>>
    %dma_wait3A_707 = arith.constant 0 : i32
    %dma_wait3A_708 = tpu.memref_slice %arg4[%add3A_688, %dma_wait3A_707] : memref<73728x64xf32, #tpu.memory_space<hbm>> -> memref<128x64xf32, #tpu.memory_space<hbm>>
    %dma_wait3A_709 = arith.constant 0 : i32
    %dma_wait3A_710 = tpu.memref_slice %arg4[%add3A_688, %dma_wait3A_709] : memref<73728x64xf32, #tpu.memory_space<hbm>> -> memref<128x64xf32, #tpu.memory_space<hbm>>
    %dma_wait3A_711 = arith.constant 0 : i32
    %dma_wait3A_712 = arith.constant 0 : i32
    %dma_wait3A_713 = tpu.memref_slice %arg6[%dma_wait3A_702, %dma_wait3A_711, %dma_wait3A_712] : memref<4x128x64xf32, #tpu.memory_space<vmem>> -> memref<1x128x64xf32, #tpu.memory_space<vmem>>
    %dma_wait3A_714 = tpu.memref_squeeze %dma_wait3A_713 : memref<1x128x64xf32, #tpu.memory_space<vmem>> -> memref<128x64xf32, #tpu.memory_space<vmem>>
    tpu.wait_dma2 semaphore(%arg8 : memref<!tpu.dma_semaphore, #tpu.memory_space<semaphore_mem>>) src(%dma_wait3A_714 : memref<128x64xf32, #tpu.memory_space<vmem>>) dst(%dma_wait3A_710 : memref<128x64xf32, #tpu.memory_space<hbm>>)
    %dma_start3A_715 = arith.constant 16 : i32
    %dma_start3A_716 = arith.constant 0 : i32
    %dma_start3A_717 = arith.constant 0 : i32
    %dma_start3A_718 = arith.constant 0 : i32
    %dma_start3A_719 = tpu.memref_slice %arg6[%dma_start3A_716, %dma_start3A_717, %dma_start3A_718] : memref<4x128x64xf32, #tpu.memory_space<vmem>> -> memref<1x128x64xf32, #tpu.memory_space<vmem>>
    %dma_start3A_720 = tpu.memref_squeeze %dma_start3A_719 : memref<1x128x64xf32, #tpu.memory_space<vmem>> -> memref<128x64xf32, #tpu.memory_space<vmem>>
    %dma_start3A_721 = arith.constant 0 : i32
    %dma_start3A_722 = tpu.memref_slice %arg5[%dma_start3A_715, %dma_start3A_721] : memref<18x128xi32, #tpu.memory_space<vmem>> -> memref<1x128xi32, #tpu.memory_space<vmem>>
    %dma_start3A_723 = tpu.memref_squeeze %dma_start3A_722 : memref<1x128xi32, #tpu.memory_space<vmem>> -> memref<128xi32, #tpu.memory_space<vmem>>
    %dma_start3A_724 = arith.constant 0 : i32
    %dma_start3A_725 = arith.constant 0 : i32
    %dma_start3A_726 = tpu.memref_slice %arg2[%dma_start3A_724, %dma_start3A_725] : memref<1024x64xf32, #tpu.memory_space<hbm>> -> memref<1024x64xf32, #tpu.memory_space<hbm>>
    tpu.enqueue_indirect_dma source(%dma_start3A_726 : memref<1024x64xf32, #tpu.memory_space<hbm>>) target(%dma_start3A_720 : memref<128x64xf32, #tpu.memory_space<vmem>>) offsets(%dma_start3A_723 : memref<128xi32, #tpu.memory_space<vmem>>) semaphore(%arg7 : memref<!tpu.dma_semaphore, #tpu.memory_space<semaphore_mem>>)
    %dma_wait3A_727 = arith.constant 13 : i32
    %dma_wait3A_728 = arith.constant 1 : i32
    %dma_wait3A_729 = arith.constant 0 : i32
    %dma_wait3A_730 = arith.constant 0 : i32
    %dma_wait3A_731 = tpu.memref_slice %arg6[%dma_wait3A_728, %dma_wait3A_729, %dma_wait3A_730] : memref<4x128x64xf32, #tpu.memory_space<vmem>> -> memref<1x128x64xf32, #tpu.memory_space<vmem>>
    %dma_wait3A_732 = tpu.memref_squeeze %dma_wait3A_731 : memref<1x128x64xf32, #tpu.memory_space<vmem>> -> memref<128x64xf32, #tpu.memory_space<vmem>>
    %dma_wait3A_733 = arith.constant 0 : i32
    %dma_wait3A_734 = tpu.memref_slice %arg5[%dma_wait3A_727, %dma_wait3A_733] : memref<18x128xi32, #tpu.memory_space<vmem>> -> memref<1x128xi32, #tpu.memory_space<vmem>>
    %dma_wait3A_735 = tpu.memref_squeeze %dma_wait3A_734 : memref<1x128xi32, #tpu.memory_space<vmem>> -> memref<128xi32, #tpu.memory_space<vmem>>
    %dma_wait3A_736 = arith.constant 0 : i32
    %dma_wait3A_737 = arith.constant 0 : i32
    %dma_wait3A_738 = tpu.memref_slice %arg2[%dma_wait3A_736, %dma_wait3A_737] : memref<1024x64xf32, #tpu.memory_space<hbm>> -> memref<1024x64xf32, #tpu.memory_space<hbm>>
    tpu.wait_indirect_dma semaphore(%arg7 : memref<!tpu.dma_semaphore, #tpu.memory_space<semaphore_mem>>) src(%dma_wait3A_738 : memref<1024x64xf32, #tpu.memory_space<hbm>>) dst(%dma_wait3A_732 : memref<128x64xf32, #tpu.memory_space<vmem>>)
    %add3A_739 = arith.constant 1664 : i32
    %add3A_740 = arith.addi %mul3A_2, %add3A_739 : i32
    %dma_start3A_741 = arith.constant 1 : i32
    %dma_start3A_742 = arith.constant 0 : i32
    %dma_start3A_743 = arith.constant 0 : i32
    %dma_start3A_744 = tpu.memref_slice %arg6[%dma_start3A_741, %dma_start3A_742, %dma_start3A_743] : memref<4x128x64xf32, #tpu.memory_space<vmem>> -> memref<1x128x64xf32, #tpu.memory_space<vmem>>
    %dma_start3A_745 = tpu.memref_squeeze %dma_start3A_744 : memref<1x128x64xf32, #tpu.memory_space<vmem>> -> memref<128x64xf32, #tpu.memory_space<vmem>>
    %dma_start3A_746 = arith.constant 0 : i32
    %dma_start3A_747 = tpu.memref_slice %arg4[%add3A_740, %dma_start3A_746] : memref<73728x64xf32, #tpu.memory_space<hbm>> -> memref<128x64xf32, #tpu.memory_space<hbm>>
    %dma_start3A_748 = arith.constant 0 : i32
    %dma_start3A_749 = tpu.memref_slice %arg4[%add3A_740, %dma_start3A_748] : memref<73728x64xf32, #tpu.memory_space<hbm>> -> memref<128x64xf32, #tpu.memory_space<hbm>>
    %dma_start3A_750 = arith.constant 0 : i32
    %dma_start3A_751 = arith.constant 0 : i32
    %dma_start3A_752 = tpu.memref_slice %arg6[%dma_start3A_741, %dma_start3A_750, %dma_start3A_751] : memref<4x128x64xf32, #tpu.memory_space<vmem>> -> memref<1x128x64xf32, #tpu.memory_space<vmem>>
    %dma_start3A_753 = tpu.memref_squeeze %dma_start3A_752 : memref<1x128x64xf32, #tpu.memory_space<vmem>> -> memref<128x64xf32, #tpu.memory_space<vmem>>
    tpu.enqueue_dma source(%dma_start3A_753 : memref<128x64xf32, #tpu.memory_space<vmem>>) target(%dma_start3A_749 : memref<128x64xf32, #tpu.memory_space<hbm>>) target_semaphore(%arg8 : memref<!tpu.dma_semaphore, #tpu.memory_space<semaphore_mem>>)
    %dma_wait3A_754 = arith.constant 1 : i32
    %dma_wait3A_755 = arith.constant 0 : i32
    %dma_wait3A_756 = arith.constant 0 : i32
    %dma_wait3A_757 = tpu.memref_slice %arg6[%dma_wait3A_754, %dma_wait3A_755, %dma_wait3A_756] : memref<4x128x64xf32, #tpu.memory_space<vmem>> -> memref<1x128x64xf32, #tpu.memory_space<vmem>>
    %dma_wait3A_758 = tpu.memref_squeeze %dma_wait3A_757 : memref<1x128x64xf32, #tpu.memory_space<vmem>> -> memref<128x64xf32, #tpu.memory_space<vmem>>
    %dma_wait3A_759 = arith.constant 0 : i32
    %dma_wait3A_760 = tpu.memref_slice %arg4[%add3A_740, %dma_wait3A_759] : memref<73728x64xf32, #tpu.memory_space<hbm>> -> memref<128x64xf32, #tpu.memory_space<hbm>>
    %dma_wait3A_761 = arith.constant 0 : i32
    %dma_wait3A_762 = tpu.memref_slice %arg4[%add3A_740, %dma_wait3A_761] : memref<73728x64xf32, #tpu.memory_space<hbm>> -> memref<128x64xf32, #tpu.memory_space<hbm>>
    %dma_wait3A_763 = arith.constant 0 : i32
    %dma_wait3A_764 = arith.constant 0 : i32
    %dma_wait3A_765 = tpu.memref_slice %arg6[%dma_wait3A_754, %dma_wait3A_763, %dma_wait3A_764] : memref<4x128x64xf32, #tpu.memory_space<vmem>> -> memref<1x128x64xf32, #tpu.memory_space<vmem>>
    %dma_wait3A_766 = tpu.memref_squeeze %dma_wait3A_765 : memref<1x128x64xf32, #tpu.memory_space<vmem>> -> memref<128x64xf32, #tpu.memory_space<vmem>>
    tpu.wait_dma2 semaphore(%arg8 : memref<!tpu.dma_semaphore, #tpu.memory_space<semaphore_mem>>) src(%dma_wait3A_766 : memref<128x64xf32, #tpu.memory_space<vmem>>) dst(%dma_wait3A_762 : memref<128x64xf32, #tpu.memory_space<hbm>>)
    %dma_start3A_767 = arith.constant 17 : i32
    %dma_start3A_768 = arith.constant 1 : i32
    %dma_start3A_769 = arith.constant 0 : i32
    %dma_start3A_770 = arith.constant 0 : i32
    %dma_start3A_771 = tpu.memref_slice %arg6[%dma_start3A_768, %dma_start3A_769, %dma_start3A_770] : memref<4x128x64xf32, #tpu.memory_space<vmem>> -> memref<1x128x64xf32, #tpu.memory_space<vmem>>
    %dma_start3A_772 = tpu.memref_squeeze %dma_start3A_771 : memref<1x128x64xf32, #tpu.memory_space<vmem>> -> memref<128x64xf32, #tpu.memory_space<vmem>>
    %dma_start3A_773 = arith.constant 0 : i32
    %dma_start3A_774 = tpu.memref_slice %arg5[%dma_start3A_767, %dma_start3A_773] : memref<18x128xi32, #tpu.memory_space<vmem>> -> memref<1x128xi32, #tpu.memory_space<vmem>>
    %dma_start3A_775 = tpu.memref_squeeze %dma_start3A_774 : memref<1x128xi32, #tpu.memory_space<vmem>> -> memref<128xi32, #tpu.memory_space<vmem>>
    %dma_start3A_776 = arith.constant 0 : i32
    %dma_start3A_777 = arith.constant 0 : i32
    %dma_start3A_778 = tpu.memref_slice %arg2[%dma_start3A_776, %dma_start3A_777] : memref<1024x64xf32, #tpu.memory_space<hbm>> -> memref<1024x64xf32, #tpu.memory_space<hbm>>
    tpu.enqueue_indirect_dma source(%dma_start3A_778 : memref<1024x64xf32, #tpu.memory_space<hbm>>) target(%dma_start3A_772 : memref<128x64xf32, #tpu.memory_space<vmem>>) offsets(%dma_start3A_775 : memref<128xi32, #tpu.memory_space<vmem>>) semaphore(%arg7 : memref<!tpu.dma_semaphore, #tpu.memory_space<semaphore_mem>>)
    %dma_wait3A_779 = arith.constant 14 : i32
    %dma_wait3A_780 = arith.constant 2 : i32
    %dma_wait3A_781 = arith.constant 0 : i32
    %dma_wait3A_782 = arith.constant 0 : i32
    %dma_wait3A_783 = tpu.memref_slice %arg6[%dma_wait3A_780, %dma_wait3A_781, %dma_wait3A_782] : memref<4x128x64xf32, #tpu.memory_space<vmem>> -> memref<1x128x64xf32, #tpu.memory_space<vmem>>
    %dma_wait3A_784 = tpu.memref_squeeze %dma_wait3A_783 : memref<1x128x64xf32, #tpu.memory_space<vmem>> -> memref<128x64xf32, #tpu.memory_space<vmem>>
    %dma_wait3A_785 = arith.constant 0 : i32
    %dma_wait3A_786 = tpu.memref_slice %arg5[%dma_wait3A_779, %dma_wait3A_785] : memref<18x128xi32, #tpu.memory_space<vmem>> -> memref<1x128xi32, #tpu.memory_space<vmem>>
    %dma_wait3A_787 = tpu.memref_squeeze %dma_wait3A_786 : memref<1x128xi32, #tpu.memory_space<vmem>> -> memref<128xi32, #tpu.memory_space<vmem>>
    %dma_wait3A_788 = arith.constant 0 : i32
    %dma_wait3A_789 = arith.constant 0 : i32
    %dma_wait3A_790 = tpu.memref_slice %arg2[%dma_wait3A_788, %dma_wait3A_789] : memref<1024x64xf32, #tpu.memory_space<hbm>> -> memref<1024x64xf32, #tpu.memory_space<hbm>>
    tpu.wait_indirect_dma semaphore(%arg7 : memref<!tpu.dma_semaphore, #tpu.memory_space<semaphore_mem>>) src(%dma_wait3A_790 : memref<1024x64xf32, #tpu.memory_space<hbm>>) dst(%dma_wait3A_784 : memref<128x64xf32, #tpu.memory_space<vmem>>)
    %add3A_791 = arith.constant 1792 : i32
    %add3A_792 = arith.addi %mul3A_2, %add3A_791 : i32
    %dma_start3A_793 = arith.constant 2 : i32
    %dma_start3A_794 = arith.constant 0 : i32
    %dma_start3A_795 = arith.constant 0 : i32
    %dma_start3A_796 = tpu.memref_slice %arg6[%dma_start3A_793, %dma_start3A_794, %dma_start3A_795] : memref<4x128x64xf32, #tpu.memory_space<vmem>> -> memref<1x128x64xf32, #tpu.memory_space<vmem>>
    %dma_start3A_797 = tpu.memref_squeeze %dma_start3A_796 : memref<1x128x64xf32, #tpu.memory_space<vmem>> -> memref<128x64xf32, #tpu.memory_space<vmem>>
    %dma_start3A_798 = arith.constant 0 : i32
    %dma_start3A_799 = tpu.memref_slice %arg4[%add3A_792, %dma_start3A_798] : memref<73728x64xf32, #tpu.memory_space<hbm>> -> memref<128x64xf32, #tpu.memory_space<hbm>>
    %dma_start3A_800 = arith.constant 0 : i32
    %dma_start3A_801 = tpu.memref_slice %arg4[%add3A_792, %dma_start3A_800] : memref<73728x64xf32, #tpu.memory_space<hbm>> -> memref<128x64xf32, #tpu.memory_space<hbm>>
    %dma_start3A_802 = arith.constant 0 : i32
    %dma_start3A_803 = arith.constant 0 : i32
    %dma_start3A_804 = tpu.memref_slice %arg6[%dma_start3A_793, %dma_start3A_802, %dma_start3A_803] : memref<4x128x64xf32, #tpu.memory_space<vmem>> -> memref<1x128x64xf32, #tpu.memory_space<vmem>>
    %dma_start3A_805 = tpu.memref_squeeze %dma_start3A_804 : memref<1x128x64xf32, #tpu.memory_space<vmem>> -> memref<128x64xf32, #tpu.memory_space<vmem>>
    tpu.enqueue_dma source(%dma_start3A_805 : memref<128x64xf32, #tpu.memory_space<vmem>>) target(%dma_start3A_801 : memref<128x64xf32, #tpu.memory_space<hbm>>) target_semaphore(%arg8 : memref<!tpu.dma_semaphore, #tpu.memory_space<semaphore_mem>>)
    %dma_wait3A_806 = arith.constant 15 : i32
    %dma_wait3A_807 = arith.constant 3 : i32
    %dma_wait3A_808 = arith.constant 0 : i32
    %dma_wait3A_809 = arith.constant 0 : i32
    %dma_wait3A_810 = tpu.memref_slice %arg6[%dma_wait3A_807, %dma_wait3A_808, %dma_wait3A_809] : memref<4x128x64xf32, #tpu.memory_space<vmem>> -> memref<1x128x64xf32, #tpu.memory_space<vmem>>
    %dma_wait3A_811 = tpu.memref_squeeze %dma_wait3A_810 : memref<1x128x64xf32, #tpu.memory_space<vmem>> -> memref<128x64xf32, #tpu.memory_space<vmem>>
    %dma_wait3A_812 = arith.constant 0 : i32
    %dma_wait3A_813 = tpu.memref_slice %arg5[%dma_wait3A_806, %dma_wait3A_812] : memref<18x128xi32, #tpu.memory_space<vmem>> -> memref<1x128xi32, #tpu.memory_space<vmem>>
    %dma_wait3A_814 = tpu.memref_squeeze %dma_wait3A_813 : memref<1x128xi32, #tpu.memory_space<vmem>> -> memref<128xi32, #tpu.memory_space<vmem>>
    %dma_wait3A_815 = arith.constant 0 : i32
    %dma_wait3A_816 = arith.constant 0 : i32
    %dma_wait3A_817 = tpu.memref_slice %arg2[%dma_wait3A_815, %dma_wait3A_816] : memref<1024x64xf32, #tpu.memory_space<hbm>> -> memref<1024x64xf32, #tpu.memory_space<hbm>>
    tpu.wait_indirect_dma semaphore(%arg7 : memref<!tpu.dma_semaphore, #tpu.memory_space<semaphore_mem>>) src(%dma_wait3A_817 : memref<1024x64xf32, #tpu.memory_space<hbm>>) dst(%dma_wait3A_811 : memref<128x64xf32, #tpu.memory_space<vmem>>)
    %add3A_818 = arith.constant 1920 : i32
    %add3A_819 = arith.addi %mul3A_2, %add3A_818 : i32
    %dma_start3A_820 = arith.constant 3 : i32
    %dma_start3A_821 = arith.constant 0 : i32
    %dma_start3A_822 = arith.constant 0 : i32
    %dma_start3A_823 = tpu.memref_slice %arg6[%dma_start3A_820, %dma_start3A_821, %dma_start3A_822] : memref<4x128x64xf32, #tpu.memory_space<vmem>> -> memref<1x128x64xf32, #tpu.memory_space<vmem>>
    %dma_start3A_824 = tpu.memref_squeeze %dma_start3A_823 : memref<1x128x64xf32, #tpu.memory_space<vmem>> -> memref<128x64xf32, #tpu.memory_space<vmem>>
    %dma_start3A_825 = arith.constant 0 : i32
    %dma_start3A_826 = tpu.memref_slice %arg4[%add3A_819, %dma_start3A_825] : memref<73728x64xf32, #tpu.memory_space<hbm>> -> memref<128x64xf32, #tpu.memory_space<hbm>>
    %dma_start3A_827 = arith.constant 0 : i32
    %dma_start3A_828 = tpu.memref_slice %arg4[%add3A_819, %dma_start3A_827] : memref<73728x64xf32, #tpu.memory_space<hbm>> -> memref<128x64xf32, #tpu.memory_space<hbm>>
    %dma_start3A_829 = arith.constant 0 : i32
    %dma_start3A_830 = arith.constant 0 : i32
    %dma_start3A_831 = tpu.memref_slice %arg6[%dma_start3A_820, %dma_start3A_829, %dma_start3A_830] : memref<4x128x64xf32, #tpu.memory_space<vmem>> -> memref<1x128x64xf32, #tpu.memory_space<vmem>>
    %dma_start3A_832 = tpu.memref_squeeze %dma_start3A_831 : memref<1x128x64xf32, #tpu.memory_space<vmem>> -> memref<128x64xf32, #tpu.memory_space<vmem>>
    tpu.enqueue_dma source(%dma_start3A_832 : memref<128x64xf32, #tpu.memory_space<vmem>>) target(%dma_start3A_828 : memref<128x64xf32, #tpu.memory_space<hbm>>) target_semaphore(%arg8 : memref<!tpu.dma_semaphore, #tpu.memory_space<semaphore_mem>>)
    %dma_wait3A_833 = arith.constant 16 : i32
    %dma_wait3A_834 = arith.constant 0 : i32
    %dma_wait3A_835 = arith.constant 0 : i32
    %dma_wait3A_836 = arith.constant 0 : i32
    %dma_wait3A_837 = tpu.memref_slice %arg6[%dma_wait3A_834, %dma_wait3A_835, %dma_wait3A_836] : memref<4x128x64xf32, #tpu.memory_space<vmem>> -> memref<1x128x64xf32, #tpu.memory_space<vmem>>
    %dma_wait3A_838 = tpu.memref_squeeze %dma_wait3A_837 : memref<1x128x64xf32, #tpu.memory_space<vmem>> -> memref<128x64xf32, #tpu.memory_space<vmem>>
    %dma_wait3A_839 = arith.constant 0 : i32
    %dma_wait3A_840 = tpu.memref_slice %arg5[%dma_wait3A_833, %dma_wait3A_839] : memref<18x128xi32, #tpu.memory_space<vmem>> -> memref<1x128xi32, #tpu.memory_space<vmem>>
    %dma_wait3A_841 = tpu.memref_squeeze %dma_wait3A_840 : memref<1x128xi32, #tpu.memory_space<vmem>> -> memref<128xi32, #tpu.memory_space<vmem>>
    %dma_wait3A_842 = arith.constant 0 : i32
    %dma_wait3A_843 = arith.constant 0 : i32
    %dma_wait3A_844 = tpu.memref_slice %arg2[%dma_wait3A_842, %dma_wait3A_843] : memref<1024x64xf32, #tpu.memory_space<hbm>> -> memref<1024x64xf32, #tpu.memory_space<hbm>>
    tpu.wait_indirect_dma semaphore(%arg7 : memref<!tpu.dma_semaphore, #tpu.memory_space<semaphore_mem>>) src(%dma_wait3A_844 : memref<1024x64xf32, #tpu.memory_space<hbm>>) dst(%dma_wait3A_838 : memref<128x64xf32, #tpu.memory_space<vmem>>)
    %add3A_845 = arith.constant 2048 : i32
    %add3A_846 = arith.addi %mul3A_2, %add3A_845 : i32
    %dma_start3A_847 = arith.constant 0 : i32
    %dma_start3A_848 = arith.constant 0 : i32
    %dma_start3A_849 = arith.constant 0 : i32
    %dma_start3A_850 = tpu.memref_slice %arg6[%dma_start3A_847, %dma_start3A_848, %dma_start3A_849] : memref<4x128x64xf32, #tpu.memory_space<vmem>> -> memref<1x128x64xf32, #tpu.memory_space<vmem>>
    %dma_start3A_851 = tpu.memref_squeeze %dma_start3A_850 : memref<1x128x64xf32, #tpu.memory_space<vmem>> -> memref<128x64xf32, #tpu.memory_space<vmem>>
    %dma_start3A_852 = arith.constant 0 : i32
    %dma_start3A_853 = tpu.memref_slice %arg4[%add3A_846, %dma_start3A_852] : memref<73728x64xf32, #tpu.memory_space<hbm>> -> memref<128x64xf32, #tpu.memory_space<hbm>>
    %dma_start3A_854 = arith.constant 0 : i32
    %dma_start3A_855 = tpu.memref_slice %arg4[%add3A_846, %dma_start3A_854] : memref<73728x64xf32, #tpu.memory_space<hbm>> -> memref<128x64xf32, #tpu.memory_space<hbm>>
    %dma_start3A_856 = arith.constant 0 : i32
    %dma_start3A_857 = arith.constant 0 : i32
    %dma_start3A_858 = tpu.memref_slice %arg6[%dma_start3A_847, %dma_start3A_856, %dma_start3A_857] : memref<4x128x64xf32, #tpu.memory_space<vmem>> -> memref<1x128x64xf32, #tpu.memory_space<vmem>>
    %dma_start3A_859 = tpu.memref_squeeze %dma_start3A_858 : memref<1x128x64xf32, #tpu.memory_space<vmem>> -> memref<128x64xf32, #tpu.memory_space<vmem>>
    tpu.enqueue_dma source(%dma_start3A_859 : memref<128x64xf32, #tpu.memory_space<vmem>>) target(%dma_start3A_855 : memref<128x64xf32, #tpu.memory_space<hbm>>) target_semaphore(%arg8 : memref<!tpu.dma_semaphore, #tpu.memory_space<semaphore_mem>>)
    %dma_wait3A_860 = arith.constant 17 : i32
    %dma_wait3A_861 = arith.constant 1 : i32
    %dma_wait3A_862 = arith.constant 0 : i32
    %dma_wait3A_863 = arith.constant 0 : i32
    %dma_wait3A_864 = tpu.memref_slice %arg6[%dma_wait3A_861, %dma_wait3A_862, %dma_wait3A_863] : memref<4x128x64xf32, #tpu.memory_space<vmem>> -> memref<1x128x64xf32, #tpu.memory_space<vmem>>
    %dma_wait3A_865 = tpu.memref_squeeze %dma_wait3A_864 : memref<1x128x64xf32, #tpu.memory_space<vmem>> -> memref<128x64xf32, #tpu.memory_space<vmem>>
    %dma_wait3A_866 = arith.constant 0 : i32
    %dma_wait3A_867 = tpu.memref_slice %arg5[%dma_wait3A_860, %dma_wait3A_866] : memref<18x128xi32, #tpu.memory_space<vmem>> -> memref<1x128xi32, #tpu.memory_space<vmem>>
    %dma_wait3A_868 = tpu.memref_squeeze %dma_wait3A_867 : memref<1x128xi32, #tpu.memory_space<vmem>> -> memref<128xi32, #tpu.memory_space<vmem>>
    %dma_wait3A_869 = arith.constant 0 : i32
    %dma_wait3A_870 = arith.constant 0 : i32
    %dma_wait3A_871 = tpu.memref_slice %arg2[%dma_wait3A_869, %dma_wait3A_870] : memref<1024x64xf32, #tpu.memory_space<hbm>> -> memref<1024x64xf32, #tpu.memory_space<hbm>>
    tpu.wait_indirect_dma semaphore(%arg7 : memref<!tpu.dma_semaphore, #tpu.memory_space<semaphore_mem>>) src(%dma_wait3A_871 : memref<1024x64xf32, #tpu.memory_space<hbm>>) dst(%dma_wait3A_865 : memref<128x64xf32, #tpu.memory_space<vmem>>)
    %add3A_872 = arith.constant 2176 : i32
    %add3A_873 = arith.addi %mul3A_2, %add3A_872 : i32
    %dma_start3A_874 = arith.constant 1 : i32
    %dma_start3A_875 = arith.constant 0 : i32
    %dma_start3A_876 = arith.constant 0 : i32
    %dma_start3A_877 = tpu.memref_slice %arg6[%dma_start3A_874, %dma_start3A_875, %dma_start3A_876] : memref<4x128x64xf32, #tpu.memory_space<vmem>> -> memref<1x128x64xf32, #tpu.memory_space<vmem>>
    %dma_start3A_878 = tpu.memref_squeeze %dma_start3A_877 : memref<1x128x64xf32, #tpu.memory_space<vmem>> -> memref<128x64xf32, #tpu.memory_space<vmem>>
    %dma_start3A_879 = arith.constant 0 : i32
    %dma_start3A_880 = tpu.memref_slice %arg4[%add3A_873, %dma_start3A_879] : memref<73728x64xf32, #tpu.memory_space<hbm>> -> memref<128x64xf32, #tpu.memory_space<hbm>>
    %dma_start3A_881 = arith.constant 0 : i32
    %dma_start3A_882 = tpu.memref_slice %arg4[%add3A_873, %dma_start3A_881] : memref<73728x64xf32, #tpu.memory_space<hbm>> -> memref<128x64xf32, #tpu.memory_space<hbm>>
    %dma_start3A_883 = arith.constant 0 : i32
    %dma_start3A_884 = arith.constant 0 : i32
    %dma_start3A_885 = tpu.memref_slice %arg6[%dma_start3A_874, %dma_start3A_883, %dma_start3A_884] : memref<4x128x64xf32, #tpu.memory_space<vmem>> -> memref<1x128x64xf32, #tpu.memory_space<vmem>>
    %dma_start3A_886 = tpu.memref_squeeze %dma_start3A_885 : memref<1x128x64xf32, #tpu.memory_space<vmem>> -> memref<128x64xf32, #tpu.memory_space<vmem>>
    tpu.enqueue_dma source(%dma_start3A_886 : memref<128x64xf32, #tpu.memory_space<vmem>>) target(%dma_start3A_882 : memref<128x64xf32, #tpu.memory_space<hbm>>) target_semaphore(%arg8 : memref<!tpu.dma_semaphore, #tpu.memory_space<semaphore_mem>>)
    %dma_wait3A_887 = arith.constant 3 : i32
    %dma_wait3A_888 = arith.constant 0 : i32
    %dma_wait3A_889 = arith.constant 0 : i32
    %dma_wait3A_890 = tpu.memref_slice %arg6[%dma_wait3A_887, %dma_wait3A_888, %dma_wait3A_889] : memref<4x128x64xf32, #tpu.memory_space<vmem>> -> memref<1x128x64xf32, #tpu.memory_space<vmem>>
    %dma_wait3A_891 = tpu.memref_squeeze %dma_wait3A_890 : memref<1x128x64xf32, #tpu.memory_space<vmem>> -> memref<128x64xf32, #tpu.memory_space<vmem>>
    %dma_wait3A_892 = arith.constant 0 : i32
    %dma_wait3A_893 = tpu.memref_slice %arg4[%add3A_819, %dma_wait3A_892] : memref<73728x64xf32, #tpu.memory_space<hbm>> -> memref<128x64xf32, #tpu.memory_space<hbm>>
    %dma_wait3A_894 = arith.constant 0 : i32
    %dma_wait3A_895 = tpu.memref_slice %arg4[%add3A_819, %dma_wait3A_894] : memref<73728x64xf32, #tpu.memory_space<hbm>> -> memref<128x64xf32, #tpu.memory_space<hbm>>
    %dma_wait3A_896 = arith.constant 0 : i32
    %dma_wait3A_897 = arith.constant 0 : i32
    %dma_wait3A_898 = tpu.memref_slice %arg6[%dma_wait3A_887, %dma_wait3A_896, %dma_wait3A_897] : memref<4x128x64xf32, #tpu.memory_space<vmem>> -> memref<1x128x64xf32, #tpu.memory_space<vmem>>
    %dma_wait3A_899 = tpu.memref_squeeze %dma_wait3A_898 : memref<1x128x64xf32, #tpu.memory_space<vmem>> -> memref<128x64xf32, #tpu.memory_space<vmem>>
    tpu.wait_dma2 semaphore(%arg8 : memref<!tpu.dma_semaphore, #tpu.memory_space<semaphore_mem>>) src(%dma_wait3A_899 : memref<128x64xf32, #tpu.memory_space<vmem>>) dst(%dma_wait3A_895 : memref<128x64xf32, #tpu.memory_space<hbm>>)
    %dma_wait3A_900 = arith.constant 0 : i32
    %dma_wait3A_901 = arith.constant 0 : i32
    %dma_wait3A_902 = arith.constant 0 : i32
    %dma_wait3A_903 = tpu.memref_slice %arg6[%dma_wait3A_900, %dma_wait3A_901, %dma_wait3A_902] : memref<4x128x64xf32, #tpu.memory_space<vmem>> -> memref<1x128x64xf32, #tpu.memory_space<vmem>>
    %dma_wait3A_904 = tpu.memref_squeeze %dma_wait3A_903 : memref<1x128x64xf32, #tpu.memory_space<vmem>> -> memref<128x64xf32, #tpu.memory_space<vmem>>
    %dma_wait3A_905 = arith.constant 0 : i32
    %dma_wait3A_906 = tpu.memref_slice %arg4[%add3A_846, %dma_wait3A_905] : memref<73728x64xf32, #tpu.memory_space<hbm>> -> memref<128x64xf32, #tpu.memory_space<hbm>>
    %dma_wait3A_907 = arith.constant 0 : i32
    %dma_wait3A_908 = tpu.memref_slice %arg4[%add3A_846, %dma_wait3A_907] : memref<73728x64xf32, #tpu.memory_space<hbm>> -> memref<128x64xf32, #tpu.memory_space<hbm>>
    %dma_wait3A_909 = arith.constant 0 : i32
    %dma_wait3A_910 = arith.constant 0 : i32
    %dma_wait3A_911 = tpu.memref_slice %arg6[%dma_wait3A_900, %dma_wait3A_909, %dma_wait3A_910] : memref<4x128x64xf32, #tpu.memory_space<vmem>> -> memref<1x128x64xf32, #tpu.memory_space<vmem>>
    %dma_wait3A_912 = tpu.memref_squeeze %dma_wait3A_911 : memref<1x128x64xf32, #tpu.memory_space<vmem>> -> memref<128x64xf32, #tpu.memory_space<vmem>>
    tpu.wait_dma2 semaphore(%arg8 : memref<!tpu.dma_semaphore, #tpu.memory_space<semaphore_mem>>) src(%dma_wait3A_912 : memref<128x64xf32, #tpu.memory_space<vmem>>) dst(%dma_wait3A_908 : memref<128x64xf32, #tpu.memory_space<hbm>>)
    %dma_wait3A_913 = arith.constant 1 : i32
    %dma_wait3A_914 = arith.constant 0 : i32
    %dma_wait3A_915 = arith.constant 0 : i32
    %dma_wait3A_916 = tpu.memref_slice %arg6[%dma_wait3A_913, %dma_wait3A_914, %dma_wait3A_915] : memref<4x128x64xf32, #tpu.memory_space<vmem>> -> memref<1x128x64xf32, #tpu.memory_space<vmem>>
    %dma_wait3A_917 = tpu.memref_squeeze %dma_wait3A_916 : memref<1x128x64xf32, #tpu.memory_space<vmem>> -> memref<128x64xf32, #tpu.memory_space<vmem>>
    %dma_wait3A_918 = arith.constant 0 : i32
    %dma_wait3A_919 = tpu.memref_slice %arg4[%add3A_873, %dma_wait3A_918] : memref<73728x64xf32, #tpu.memory_space<hbm>> -> memref<128x64xf32, #tpu.memory_space<hbm>>
    %dma_wait3A_920 = arith.constant 0 : i32
    %dma_wait3A_921 = tpu.memref_slice %arg4[%add3A_873, %dma_wait3A_920] : memref<73728x64xf32, #tpu.memory_space<hbm>> -> memref<128x64xf32, #tpu.memory_space<hbm>>
    %dma_wait3A_922 = arith.constant 0 : i32
    %dma_wait3A_923 = arith.constant 0 : i32
    %dma_wait3A_924 = tpu.memref_slice %arg6[%dma_wait3A_913, %dma_wait3A_922, %dma_wait3A_923] : memref<4x128x64xf32, #tpu.memory_space<vmem>> -> memref<1x128x64xf32, #tpu.memory_space<vmem>>
    %dma_wait3A_925 = tpu.memref_squeeze %dma_wait3A_924 : memref<1x128x64xf32, #tpu.memory_space<vmem>> -> memref<128x64xf32, #tpu.memory_space<vmem>>
    tpu.wait_dma2 semaphore(%arg8 : memref<!tpu.dma_semaphore, #tpu.memory_space<semaphore_mem>>) src(%dma_wait3A_925 : memref<128x64xf32, #tpu.memory_space<vmem>>) dst(%dma_wait3A_921 : memref<128x64xf32, #tpu.memory_space<hbm>>)
    return
  }
}

module attributes {stable_mosaic.version = 14 : i64} {
  func.func @_argmin_body(%arg0: i32, %arg1: memref<8192x64xf32, #tpu.memory_space<vmem>>, %arg2: memref<1024x64xf32, #tpu.memory_space<vmem>>, %arg3: memref<64x128xi32, #tpu.memory_space<vmem>>, %arg4: memref<1x1xf32, #tpu.memory_space<vmem>>) attributes {dimension_semantics = [#tpu.dimension_semantics<arbitrary>], iteration_bounds = array<i64: 9>, scalar_prefetch = 0 : i64, scratch_operands = 0 : i64, tpu.core_type = #tpu.core_type<tc>, window_params = [{transform_indices = @transform_0, window_bounds = array<i64: 8192, 64>}, {pipeline_mode = #tpu.pipeline_mode<synchronous>, transform_indices = @transform_1, window_bounds = array<i64: 1024, 64>}, {transform_indices = @transform_2, window_bounds = array<i64: 64, 128>}, {pipeline_mode = #tpu.pipeline_mode<synchronous>, transform_indices = @transform_3, window_bounds = array<i64: 1, 1>}]} {
    %get3A = arith.constant 0 : index
    %get3A_0 = arith.constant 0 : index
    %get3A_1 = vector.load %arg1[%get3A, %get3A_0] : memref<8192x64xf32, #tpu.memory_space<vmem>>, vector<8192x64xf32>
    %get3A_2 = arith.constant 0 : index
    %get3A_3 = arith.constant 0 : index
    %get3A_4 = vector.load %arg2[%get3A_2, %get3A_3] : memref<1024x64xf32, #tpu.memory_space<vmem>>, vector<1024x64xf32>
    %mul3A = arith.mulf %get3A_4, %get3A_4 : vector<1024x64xf32>
    %reduce_sum3A = arith.constant dense<0.000000e+00> : vector<1024xf32>
    %reduce_sum3A_5 = vector.multi_reduction <add>, %mul3A, %reduce_sum3A [1] : vector<1024x64xf32> to vector<1024xf32>
    %broadcast_in_dim3A = vector.shape_cast %reduce_sum3A_5 : vector<1024xf32> to vector<1024x1xf32>
    %mul3A_6 = arith.mulf %get3A_1, %get3A_1 : vector<8192x64xf32>
    %reduce_sum3A_7 = arith.constant dense<0.000000e+00> : vector<8192xf32>
    %reduce_sum3A_8 = vector.multi_reduction <add>, %mul3A_6, %reduce_sum3A_7 [1] : vector<8192x64xf32> to vector<8192xf32>
    %mul3A_9 = arith.constant -2.000000e+00 : f32
    %mul3A_10 = vector.broadcast %mul3A_9 : f32 to vector<1024x64xf32>
    %mul3A_11 = arith.mulf %get3A_4, %mul3A_10 : vector<1024x64xf32>
    %dot_general3A = arith.constant dense<0.000000e+00> : vector<1024x8192xf32>
    %dot_general3A_12 = tpu.matmul %mul3A_11, %get3A_1, %dot_general3A {dimension_numbers = #tpu.dot_dimension_numbers<[1], [1], [0], [0], [0, 0, 1, 0], [], []>, transpose_lhs_hint = false} : vector<1024x64xf32>, vector<8192x64xf32>, vector<1024x8192xf32> -> vector<1024x8192xf32>
    %add3A = vector.broadcast %broadcast_in_dim3A : vector<1024x1xf32> to vector<1024x8192xf32>
    %add3A_13 = arith.addf %dot_general3A_12, %add3A : vector<1024x8192xf32>
    %reduce_min3A = arith.constant dense<0x7F800000> : vector<8192xf32>
    %reduce_min3A_14 = vector.multi_reduction <minimumf>, %add3A_13, %reduce_min3A [0] : vector<1024x8192xf32> to vector<8192xf32>
    %broadcast_in_dim3A_15 = vector.shape_cast %reduce_min3A_14 : vector<8192xf32> to vector<1x8192xf32>
    %iota3A = tpu.iota {dimensions = array<i32: 0>} : vector<1024x8192xi32>
    %eq3A = vector.broadcast %broadcast_in_dim3A_15 : vector<1x8192xf32> to vector<1024x8192xf32>
    %eq3A_16 = arith.cmpf oeq, %add3A_13, %eq3A : vector<1024x8192xf32>
    %jit3A = arith.constant 1024 : i32
    %broadcast_in_dim3A_17 = vector.broadcast %jit3A : i32 to vector<1024x8192xi32>
    %select_n3A = arith.select %eq3A_16, %iota3A, %broadcast_in_dim3A_17 : vector<1024x8192xi1>, vector<1024x8192xi32>
    %reduce_min3A_18 = arith.constant dense<2147483647> : vector<8192xi32>
    %reduce_min3A_19 = vector.multi_reduction <minsi>, %select_n3A, %reduce_min3A_18 [0] : vector<1024x8192xi32> to vector<8192xi32>
    %reshape3A = vector.shape_cast %reduce_min3A_19 : vector<8192xi32> to vector<64x128xi32>
    %swap3A = arith.constant 0 : index
    %swap3A_20 = arith.constant 0 : index
    %swap3A_21 = vector.load %arg3[%swap3A, %swap3A_20] : memref<64x128xi32, #tpu.memory_space<vmem>>, vector<64x128xi32>
    tpu.vector_store %arg3[%swap3A, %swap3A_20], %reshape3A {strides = array<i32>} : memref<64x128xi32, #tpu.memory_space<vmem>>, vector<64x128xi32>,
    %eq3A_22 = arith.constant 0 : i32
    %eq3A_23 = arith.cmpi eq, %arg0, %eq3A_22 : i32
    %convert_element_type3A = arith.extui %eq3A_23 : i1 to i32
    %cond3A = arith.constant 0 : i32
    %cond3A_24 = arith.cmpi ne, %convert_element_type3A, %cond3A : i32
    scf.if %cond3A_24 {
      %broadcast_in_dim3A_44 = arith.constant 0.000000e+00 : f32
      %broadcast_in_dim3A_45 = vector.broadcast %broadcast_in_dim3A_44 : f32 to vector<1x1xf32>
      %swap3A_46 = arith.constant 0 : index
      %swap3A_47 = arith.constant 0 : index
      %swap3A_48 = vector.load %arg4[%swap3A_46, %swap3A_47] : memref<1x1xf32, #tpu.memory_space<vmem>>, vector<1x1xf32>
      tpu.vector_store %arg4[%swap3A_46, %swap3A_47], %broadcast_in_dim3A_45 {strides = array<i32>} : memref<1x1xf32, #tpu.memory_space<vmem>>, vector<1x1xf32>,
    } else {
    }
    %get3A_25 = arith.constant 0 : index
    %get3A_26 = arith.constant 0 : index
    %get3A_27 = vector.load %arg4[%get3A_25, %get3A_26] : memref<1x1xf32, #tpu.memory_space<vmem>>, vector<1x1xf32>
    %reduce_sum3A_28 = vector.shape_cast %broadcast_in_dim3A_15 : vector<1x8192xf32> to vector<1x1x8192xf32>
    %reduce_sum3A_29 = arith.constant dense<0.000000e+00> : vector<1xf32>
    %reduce_sum3A_30 = vector.multi_reduction <add>, %reduce_sum3A_28, %reduce_sum3A_29 [1, 2] : vector<1x1x8192xf32> to vector<1xf32>
    %reduce_sum3A_31 = vector.shape_cast %reduce_sum3A_30 : vector<1xf32> to vector<1x1x1xf32>
    %reduce_sum3A_32 = vector.extract %reduce_sum3A_31[0, 0, 0] : f32 from vector<1x1x1xf32>
    %reduce_sum3A_33 = vector.shape_cast %reduce_sum3A_8 : vector<8192xf32> to vector<1x8192xf32>
    %reduce_sum3A_34 = arith.constant dense<0.000000e+00> : vector<1xf32>
    %reduce_sum3A_35 = vector.multi_reduction <add>, %reduce_sum3A_33, %reduce_sum3A_34 [1] : vector<1x8192xf32> to vector<1xf32>
    %reduce_sum3A_36 = vector.shape_cast %reduce_sum3A_35 : vector<1xf32> to vector<1x1xf32>
    %reduce_sum3A_37 = vector.extract %reduce_sum3A_36[0, 0] : f32 from vector<1x1xf32>
    %add3A_38 = arith.addf %reduce_sum3A_32, %reduce_sum3A_37 : f32
    %reshape3A_39 = vector.broadcast %add3A_38 : f32 to vector<1x1xf32>
    %add3A_40 = arith.addf %get3A_27, %reshape3A_39 : vector<1x1xf32>
    %swap3A_41 = arith.constant 0 : index
    %swap3A_42 = arith.constant 0 : index
    %swap3A_43 = vector.load %arg4[%swap3A_41, %swap3A_42] : memref<1x1xf32, #tpu.memory_space<vmem>>, vector<1x1xf32>
    tpu.vector_store %arg4[%swap3A_41, %swap3A_42], %add3A_40 {strides = array<i32>} : memref<1x1xf32, #tpu.memory_space<vmem>>, vector<1x1xf32>,
    return
  }
  func.func @transform_0(%arg0: i32) -> (i32, i32) {
    %c0_i32 = arith.constant 0 : i32
    %c0_i32_0 = arith.constant 0 : i32
    return %arg0, %c0_i32 : i32, i32
  }
  func.func @transform_1(%arg0: i32) -> (i32, i32) {
    %c0_i32 = arith.constant 0 : i32
    %c0_i32_0 = arith.constant 0 : i32
    %c0_i32_1 = arith.constant 0 : i32
    return %c0_i32, %c0_i32_0 : i32, i32
  }
  func.func @transform_2(%arg0: i32) -> (i32, i32) {
    %c0_i32 = arith.constant 0 : i32
    %c0_i32_0 = arith.constant 0 : i32
    return %arg0, %c0_i32 : i32, i32
  }
  func.func @transform_3(%arg0: i32) -> (i32, i32) {
    %c0_i32 = arith.constant 0 : i32
    %c0_i32_0 = arith.constant 0 : i32
    %c0_i32_1 = arith.constant 0 : i32
    return %c0_i32, %c0_i32_0 : i32, i32
  }
}

</mosaic_0001>

<sc_bundles>
// kernel: kernel.4.cloned.1.call-start
scs
__scs_entry_jumppad:
0x0: {  	(pc) =	sbr.rel $0x88, $3  }
0x1: {  	(tag) =	ssettag $0x0;
	lr =	simm.s32 $0x1  }
0x2: {  	[smem:$0x3F9F] =	sst lr;
	_ =	strace $0xD0000000  }
0x3: {  	_ = 	snop  }
0x4: {  	_ = 	snop  }
0x5: {  	_ = 	snop  }
0x6: {  	_ = 	snop  }
0x7: {  	_ = 	snop  }
__scs_overlays_trampoline_lowered:
0x8: {  	[smem:$0x3FAE] =	sst s0  }
0x9: {  	[smem:$0x3FAF] =	sst s1  }
0xa: {  	[smem:$0x3FB0] =	sst s2  }
0xb: {  	[smem:$0x3FB1] =	sst s3  }
0xc: {  	[smem:$0x3FB2] =	sst s4  }
0xd: {  	[smem:$0x3FB3] =	sst s5  }
0xe: {  	[smem:$0x3FB4] =	sst s6  }
0xf: {  	[smem:$0x3FB5] =	sst s7  }
0x10: {  	[smem:$0x3FB6] =	sst s8  }
0x11: {  	[smem:$0x3FB7] =	sst s9;
	s0 =	simm.s32 @!p0 $0x0  }
0x12: {  	s1 =	sld [smem:$0x3F9D];
	s0 =	simm.s32 @p0 $0x1  }
0x13: {  	[smem:$0x3FB8] =	sst s0;
	s0 =	simm.s32 @!p1 $0x0  }
0x14: {  	s2 =	sld [smem:$0x3F9C];
	s0 =	simm.s32 @p1 $0x1  }
0x15: {  	[smem:$0x3FB9] =	sst s0;
	s0 =	simm.s32 @!p2 $0x0  }
0x16: {  	s3 =	sld [smem:$0x3FDB];
	s0 =	simm.s32 @p2 $0x1  }
0x17: {  	s4 =	simm.s32 $0x1BF5;
	[smem:$0x3FBB] =	sst s0  }
0x18: {  	s0 =	sld [smem:$0x3F9E];
	_ =	swait.ge [sflag:s4], $0x0  }
0x19: {  	s7 =	sld [smem:$0x3F9F]  }
0x1a: {  	s8 =	sadd.s32 $0xFFFFE003, lr  }
0x1b: {  	s9 =	sadd.s32 $0xFFFFFEF7, lr;
	s5 =	simm.s32 $0xFFFFFFFF;
	p2 =	slt.u32 s8, $0xFFFFF086  }
0x1c: {  	p1 =	slt.u32 s9, $0xF7A;
	s5 =	simm.s32 @!p2 $0x0  }
0x1d: {  	s5 =	simm.s32 @p1 $0x1;
	p0 =	seq.s32 s7, s2  }
0x1e: {  	s7 =	smul.u32 @!p0 $0xF7A, s2;
	p2 =	seq.s32 @!p0 s5, $0x0  }
0x1f: {  	s9 =	smul.u32 $0xF7A, s1;
	s8 =	simm.s32 @!p0 $0x1BF5;
	p2 =	por !p2, p0  }
0x20: {  	[sflag:s8] =	ssyncset.s32 @!p0 $0xFFFFF086;
	s6 =	sadd.s32 @!p0 s3, s7;
	s7 =	simm.s32 @!p0 $0x108  }
0x21: {  	s3 =	sadd.s32 s3, s9;
	s6 =	sadd.s32 @!p0 $0x88, s6;
	s7 =	simm.s32 @p2 $0x1082  }
0x22: {  	[simem:s7], [sflag:s8] =	dma.local @!p0 [hbm:s6], $0xF7A  }
0x23: {  	s9 =	sor.u32 $0xD0000000, s2;
	s6 =	simm.s32 $0x108;
	_ =	swait.ge @!p0 [sflag:s8], $0x0  }
0x24: {  	s3 =	sadd.s32 $0x88, s3;
	s6 =	simm.s32 @!p1 $0x1082;
	[sflag:s4] =	ssyncset.s32 $0xFFFFF086  }
0x25: {  	[simem:s6], [sflag:s4] =	dma.local [hbm:s3], $0xF7A  }
0x26: {  	[smem:$0x3F9F] =	sst s1;
	(tag) =	ssettag s2;
	_ =	strace s9  }
0x27: {  	s1 =	sld [smem:$0x3FAF]  }
0x28: {  	s2 =	sld [smem:$0x3FB0]  }
0x29: {  	s4 =	sld [smem:$0x3FB2]  }
0x2a: {  	p0 =	seq.s32 s5, $0x0;
	s5 =	sld [smem:$0x3FB3]  }
0x2b: {  	s6 =	sld [smem:$0x3FB4]  }
0x2c: {  	s7 =	sld [smem:$0x3FB5]  }
0x2d: {  	s3 =	simm.s32 $0x108;
	s8 =	sld [smem:$0x3FB6]  }
0x2e: {  	s3 =	simm.s32 @!p0 $0x1082;
	s9 =	sld [smem:$0x3FB7]  }
0x2f: {  	lr =	sadd.s32 s0, s3;
	s0 =	sld [smem:$0x3FAE]  }
0x30: {  	s3 =	sld [smem:$0x3FB1]  }
0x31: {  	[smem:$0x3FBA] =	sst s10  }
0x32: {  	s10 =	sld [smem:$0x3FB8];
	_ =	sdelay $0x3  }
0x33: {  	p0 =	seq.s32 s10, $0x1;
	s10 =	sld [smem:$0x3FBA];
	_ =	sdelay $0x3  }
0x34: {  	[smem:$0x3FBA] =	sst s10  }
0x35: {  	s10 =	sld [smem:$0x3FB9];
	_ =	sdelay $0x3  }
0x36: {  	p1 =	seq.s32 s10, $0x1;
	s10 =	sld [smem:$0x3FBA];
	_ =	sdelay $0x3  }
0x37: {  	[smem:$0x3FBA] =	sst s10  }
0x38: {  	s10 =	sld [smem:$0x3FBB]  }
0x39: {  	_ = 	snop;
	(pc) =	sbr.ind lr, $3  }
0x3a: {  	_ = 	snop  }
0x3b: {  	_ = 	snop  }
0x3c: {  	p2 =	seq.s32 s10, $0x1;
	s10 =	sld [smem:$0x3FBA]  }
0x3d: {  	_ =	shalt  }
0x3e: {  	_ =	shalt  }
0x3f: {  	_ =	shalt  }
0x40: {  	_ =	shalt  }
0x41: {  	_ =	shalt  }
0x42: {  	_ =	shalt  }
0x43: {  	_ =	shalt  }
0x44: {  	_ =	shalt  }
0x45: {  	_ =	shalt  }
0x46: {  	_ =	shalt  }
0x47: {  	_ =	shalt  }
0x48: {  	_ =	shalt  }
0x49: {  	_ =	shalt  }
0x4a: {  	_ =	shalt  }
0x4b: {  	_ =	shalt  }
0x4c: {  	_ =	shalt  }
0x4d: {  	_ =	shalt  }
0x4e: {  	_ =	shalt  }
0x4f: {  	_ =	shalt  }
0x50: {  	_ =	shalt  }
0x51: {  	_ =	shalt  }
0x52: {  	_ =	shalt  }
0x53: {  	_ =	shalt  }
0x54: {  	_ =	shalt  }
0x55: {  	_ =	shalt  }
0x56: {  	_ =	shalt  }
0x57: {  	_ =	shalt  }
0x58: {  	_ =	shalt  }
0x59: {  	_ =	shalt  }
0x5a: {  	_ =	shalt  }
0x5b: {  	_ =	shalt  }
0x5c: {  	_ =	shalt  }
0x5d: {  	_ =	shalt  }
0x5e: {  	_ =	shalt  }
0x5f: {  	_ =	shalt  }
0x60: {  	_ =	shalt  }
0x61: {  	_ =	shalt  }
0x62: {  	_ =	shalt  }
0x63: {  	_ =	shalt  }
0x64: {  	_ =	shalt  }
0x65: {  	_ =	shalt  }
0x66: {  	_ =	shalt  }
0x67: {  	_ =	shalt  }
0x68: {  	_ =	shalt  }
0x69: {  	_ =	shalt  }
0x6a: {  	_ =	shalt  }
0x6b: {  	_ =	shalt  }
0x6c: {  	_ =	shalt  }
0x6d: {  	_ =	shalt  }
0x6e: {  	_ =	shalt  }
0x6f: {  	_ =	shalt  }
0x70: {  	_ =	shalt  }
0x71: {  	_ =	shalt  }
0x72: {  	_ =	shalt  }
0x73: {  	_ =	shalt  }
0x74: {  	_ =	shalt  }
0x75: {  	_ =	shalt  }
0x76: {  	_ =	shalt  }
0x77: {  	_ =	shalt  }
0x78: {  	_ =	shalt  }
0x79: {  	_ =	shalt  }
0x7a: {  	_ =	shalt  }
0x7b: {  	_ =	shalt  }
0x7c: {  	_ =	shalt  }
0x7d: {  	_ =	shalt  }
0x7e: {  	_ =	shalt  }
0x7f: {  	_ =	shalt  }
0x80: {  	_ =	shalt  }
0x81: {  	_ =	shalt  }
0x82: {  	_ =	shalt  }
0x83: {  	_ =	shalt  }
0x84: {  	_ =	shalt  }
0x85: {  	_ =	shalt  }
0x86: {  	_ =	shalt  }
0x87: {  	_ =	shalt  }
.Lfunc_end0:
.L_simem_size_0:
called_computation_lowered:
.L_overlay_start_0:
0x88: {  	s2 =	sld [smem:$0x3FD9]  }
0x89: {  	s3 =	sld [smem:$0x3FFE];
	_ =	sdelay $0x1  }
0x8a: {  	s1 =	srdreg.scid  }
0x8b: {  	s0 =	sand.u32 $0x1, s1  }
0x8c: {  	s14 =	sshll.u32 s0, $0xA;
	s2 =	sadd.s32 s3, s2  }
0x8d: {  	s2 =	sadd.s32 s2, s14  }
0x8e: {  	[smem:$0x3FC6] =	sst s2  }
0x8f: {  	_ = 	snop  }
0x90: {  	s2 =	sld [smem:$0x3FD0];
	_ =	sdelay $0x2  }
0x91: {  	s15 =	simm.s32 $0xA;
	s4 =	simm.s32 $0x10  }
0x92: {  	[smem:s4], [sflag:s15] =	dma.local [hbm:s2], $0x1  }
0x93: {  	_ =	swait.eq [sflag:s15], $0x1  }
0x94: {  	[sflag:s15] =	ssyncset.done $0x0  }
0x95: {  	[sflag:s15] =	ssyncadd.s32 $0xFFFFFFFF  }
0x96: {  	s16 =	sld [smem:$0x10];
	(tm) =	ssettm $0x1  }
0x97: {  	s17 =	sld [smem:$0x3FFB];
	_ =	sdelay $0x3  }
0x98: {  	_ =	strace s17  }
0x99: {  	s3 =	sld [smem:$0x3FFC];
	_ =	sdelay $0x3  }
0x9a: {  	_ =	strace s3  }
0x9b: {  	s3 =	sld [smem:$0x3FFD];
	_ =	sdelay $0x3  }
0x9c: {  	_ =	strace s3  }
0x9d: {  	_ =	strace $0x8FFFFFFF  }
0x9e: {  	s18 =	sld [smem:$0x3FDB];
	_ =	sdelay $0x1  }
0x9f: {  	s19 =	simm.s32 $_scs_section_size  }
0xa0: {  	s5 =	simm.s32 $_size__tile_overlayer_lowered;
	s6 =	simm.s32 $_tile_overlayer_lowered  }
0xa1: {  	s22 =	simm.s32 $0x1BFF;
	s21 =	sshll.u32 s6, $0x1;
	s3 =	sadd.s32 s19, s18  }
0xa2: {  	s7 =	simm.s32 $0x0;
	s20 =	sshll.u32 s5, $0x1;
	s5 =	sadd.s32 s21, s3  }
0xa3: {  	[timem:s7], [sflag:s22] =	dma.local [hbm:s5], s20  }
0xa4: {  	_ =	swait.ge [sflag:s22], s20  }
0xa5: {  	s4 =	ssub.s32 $0x0, s20;
	[sflag:s22] =	ssyncset.done $0x0  }
0xa6: {  	[sflag:s22] =	ssyncadd.s32 s4;
	_ =	sdelay $0x1  }
0xa7: {  	s23 =	simm.s32 $0x1B8B  }
0xa8: {  	_ =	swait.ge [sflag:s23], $0x1  }
0xa9: {  	[sflag:s23] =	ssyncset.done $0x0  }
0xaa: {  	s25 =	simm.s32 $0x1B8E;
	s24 =	sld [smem:$0x3FFE];
	[sflag:s23] =	ssyncadd.s32 $0xFFFFFFFF  }
0xab: {  	s26 =	simm.s32 $execute0_lowered;
	[smem:$0x3FD2] =	sst s25  }
0xac: {  	s5 =	sshll.u32 s26, $0x1;
	_ =	strace $0x80000046;
	[dreg:$0x1] =	wrdreg $0xFFFFFFFF  }
0xad: {  	s28 =	simm.s32 $_size_execute0_lowered;
	s3 =	sadd.s32 s3, s5;
	[dreg:$0x0] =	wrdreg $0x0  }
0xae: {  	s5 =	sshll.u32 s28, $0x1;
	[dreg:$0x2] =	wrdreg s3  }
0xaf: {  	[dreg:$0x3] =	wrdreg s5  }
0xb0: {  	[dreg:$0x4] =	wrdreg $0xC0  }
0xb1: {  	_ =	task [dreg:s7], $0x5FFFF  }
0xb2: {  	[dreg:$0x1] =	wrdreg $0xFFFFFFFF  }
0xb3: {  	[dreg:$0x0] =	wrdreg $0x60  }
0xb4: {  	[dreg:$0x2] =	wrdreg s24  }
0xb5: {  	[dreg:$0x3] =	wrdreg s16  }
0xb6: {  	[dreg:$0x4] =	wrdreg $0x9  }
0xb7: {  	_ =	task.clear_ibuf [dreg:s7], $0x5FFFF;
	_ =	strace $0x90000046  }
0xb8: {  	s29 =	simm.s32 $0x9;
	_ =	strace $0x80000048  }
0xb9: {  	_ =	swait.ge [sflag:s29], $0x1  }
0xba: {  	[sflag:s29] =	ssyncadd.s32 $0xFFFFFFFF  }
0xbb: {  	_ =	strace $0x90000048  }
0xbc: {  	_ =	sfence  }
0xbd: {  	s30 =	sld [smem:$0x0];
	_ =	sdelay $0x2  }
0xbe: {  	s31 =	sshll.u32 s1, $0xD;
	s1 =	sshrl.u32 s1, $0x2  }
0xbf: {  	s3 =	sand.u32 $0x4000, s31;
	s1 =	sadd.s32 s1, s30  }
0xc0: {  	s0 =	sor.u32 s3, s0;
	s1 =	sshll.u32 s1, $0x11  }
0xc1: {  	s0 =	sor.u32 s1, s0  }
0xc2: {  	s0 =	sadd.s32 $0x8F2B, s0  }
0xc3: {  	[sflag:s0] =	ssyncadd.remote.s32 $0x1  }
0xc4: {  	_ =	sfence.sel $0xFFFF  }
0xc5: {  	[dreg:$0x0] =	wrdreg $0xFFFFFFFF;
	(pc) =	sbr.abs _section_cstart, $3  }
0xc6: {  	[dreg:$0x1] =	wrdreg $0xFFFFFFFF  }
0xc7: {  	_ =	task.clear_ibuf [dreg:s7], $0x2FFFF;
	_ =	strace $0x9FFFFFFF  }
0xc8: {  	(tm) =	ssettm $0x7FFFFFFF  }
0xc9: {  	_ =	shalt  }
tec
execute0_lowered:
.L_overlay_start_1:
0x0: {  	(tag) =	ssettag $0x1  }
0x1: {  	s0 =	srdreg.scid;
	s1 =	stileid.u32  }
0x2: {  	s3 =	rddreg [dreg:$0x0];
	s0 =	sand.u32 $0x1, s0;
	s1 =	sshll.u32 s1, $0x1  }
0x3: {  	s4 =	rddreg [dreg:$0x1];
	s1 =	sor.u32 s0, s1  }
0x4: {  	s2 =	simm.s32 $0x0;
	s29 =	simm.s32 $0x3;
	s5 =	smul.u32 $0x120, s1  }
0x5: {  	s8 =	simm.s32 $0x900;
	s30 =	simm.s32 $0x100;
	s6 =	smul.u32 $0x4800, s1  }
0x6: {  	s31 =	simm.s32 $0x180;
	[smem:$0x7FF] =	sst s2;
	s1 =	smul.u32 $0x24000, s1  }
0x7: {  	s10 =	simm.s32 $0x6900;
	_ =	strace $0x80000047;
	s5 =	sadd.s32 s5, s3  }
0x8: {  	s21 =	sadd.s32 s4, s6;
	s1 =	sshrl.u32 s1, $0x3;
	s5 =	sadd.s32 $0x2800, s5  }
0x9: {  	s11 =	sadd.s32 $0x400, s21;
	s1 =	sadd.s32 s4, s1;
	[dreg:$0x3] =	wrdreg s5  }
0xa: {  	s9 =	simm.s32 $0x1;
	[dreg:$0x4] =	wrdreg s11;
	s4 =	sadd.s32 $0x800, s1  }
0xb: {  	s28 =	simm.s32 $0x200;
	s12 =	sadd.s32 $0xC00, s1;
	[dreg:$0x5] =	wrdreg s4  }
0xc: {  	p0 =	por $0x0, $0x0;
	s13 =	sadd.s32 $0x1000, s1;
	[dreg:$0x6] =	wrdreg s12  }
0xd: {  	s7 =	sadd.s32 $0x800, s3;
	s14 =	sadd.s32 $0x1400, s1;
	[dreg:$0x7] =	wrdreg s13  }
0xe: {  	s0 =	ssub.s32 $0x2, s0;
	s15 =	sadd.s32 $0x1800, s1;
	[dreg:$0x8] =	wrdreg s14  }
0xf: {  	s25 =	sshrl.u32 s0, $0x1;
	s16 =	sadd.s32 $0x1C00, s1;
	[dreg:$0x9] =	wrdreg s15  }
0x10: {  	s0 =	ssub.s32 s0, s25;
	s17 =	sadd.s32 $0x2000, s1;
	[dreg:$0xa] =	wrdreg s16  }
0x11: {  	s25 =	simm.s32 $0x300;
	s18 =	sadd.s32 $0x2400, s1;
	[dreg:$0xb] =	wrdreg s17  }
0x12: {  	s0 =	smax.u32 s0, $0x1;
	s19 =	sadd.s32 $0x2800, s1;
	[dreg:$0xc] =	wrdreg s18  }
0x13: {  	s6 =	simm.s32 $0x2900;
	s20 =	sadd.s32 $0x2C00, s1;
	[dreg:$0xd] =	wrdreg s19  }
0x14: {  	p1 =	sne.s32 s0, $0x1;
	s22 =	sadd.s32 $0x3000, s1;
	[dreg:$0xe] =	wrdreg s20  }
0x15: {  	s23 =	sadd.s32 $0x3400, s1;
	s24 =	sadd.s32 $0x3800, s1;
	[dreg:$0xf] =	wrdreg s22  }
0x16: {  	s26 =	sadd.s32 $0x3C00, s1;
	s5 =	sadd.s32 $0x4000, s1;
	[dreg:$0x10] =	wrdreg s23  }
0x17: {  	s3 =	sadd.s32 $0x4400, s1;
	s11 =	simm.s32 $0x4900;
	[dreg:$0x11] =	wrdreg s24  }
0x18: {  	s1 =	sadd.s32 $0xFFFFFFFF, s0;
	[dreg:$0x12] =	wrdreg s26;
	s12 =	simm.s32 $0x80  }
.Ltmp0:
0x19: {  	s4 =	simm.s32 $0x2;
	s26 =	simm.s32 $0x280;
	(pc) =	sbr.rel @!p1 .LBB2_3-.Ltmp0, $4  }
0x1a: {  	s24 =	simm.s32 $0x380;
	s23 =	simm.s32 $0x400;
	s22 =	simm.s32 $0x480  }
0x1b: {  	s20 =	simm.s32 $0x500;
	s19 =	simm.s32 $0x580;
	s18 =	simm.s32 $0x600  }
0x1c: {  	s17 =	simm.s32 $0x680;
	s16 =	simm.s32 $0x700;
	s15 =	simm.s32 $0x780  }
0x1d: {  	s14 =	simm.s32 $0x800;
	s13 =	simm.s32 $0x880;
	s0 =	rddreg [dreg:$0x3]  }
0x1e: {  	[tilespmem:s2], [sflag:$0x3] =	stream.linear.gather [hbm4b:s0+s2], $0x900, $0x38;
	[tilespmem:$0x8900] =	vst v63  }
0x1f: {  	_ =	swait.ge [sflag:s29], $0x900  }
0x20: {  	[sflag:s29] =	ssyncset.done $0x0  }
0x21: {  	[sflag:s29] =	ssyncadd.s32 $0xFFFFF700  }
0x22: {  	[tilespmem:s8], [sflag:$0x1] =	stream.indirect.gather [hbm4b:s7+s12], $0x40, s2, s12, $0xb8;
	[tilespmem:$0x8900] =	vst v63  }
0x23: {  	_ = 	snop  }
0x24: {  	[tilespmem:s6], [sflag:$0x1] =	stream.indirect.gather [hbm4b:s7+s12], $0x40, s12, s12, $0xb8;
	[tilespmem:$0x8900] =	vst v63  }
0x25: {  	_ = 	snop  }
0x26: {  	[tilespmem:s11], [sflag:$0x1] =	stream.indirect.gather [hbm4b:s7+s12], $0x40, s30, s12, $0xb8;
	[tilespmem:$0x8900] =	vst v63  }
0x27: {  	_ = 	snop  }
0x28: {  	[tilespmem:s10], [sflag:$0x1] =	stream.indirect.gather [hbm4b:s7+s12], $0x40, s31, s12, $0xb8;
	[tilespmem:$0x8900] =	vst v63  }
0x29: {  	_ =	swait.ge [sflag:s9], $0x2000  }
0x2a: {  	[sflag:s9] =	ssyncset.done $0x0  }
0x2b: {  	[sflag:s9] =	ssyncadd.s32 $0xFFFFE000  }
0x2c: {  	[hbm4b:s21+s2] =	stream.linear.scatter [tilespmem:s8], [sflag:$0x2], $0x2000, $0x38;
	[tilespmem:$0x8900] =	vst v63  }
0x2d: {  	_ =	swait.ge [sflag:s4], $0x2000  }
0x2e: {  	[sflag:s4] =	ssyncset.done $0x0  }
0x2f: {  	[sflag:s4] =	ssyncadd.s32 $0xFFFFE000  }
0x30: {  	[tilespmem:s8], [sflag:$0x1] =	stream.indirect.gather [hbm4b:s7+s12], $0x40, s28, s12, $0xb8;
	[tilespmem:$0x8900] =	vst v63  }
0x31: {  	_ =	swait.ge [sflag:s9], $0x2000  }
0x32: {  	[sflag:s9] =	ssyncset.done $0x0  }
0x33: {  	s0 =	rddreg [dreg:$0x4];
	[sflag:s9] =	ssyncadd.s32 $0xFFFFE000  }
0x34: {  	[hbm4b:s0+s2] =	stream.linear.scatter [tilespmem:s6], [sflag:$0x2], $0x2000, $0x38;
	[tilespmem:$0x8900] =	vst v63  }
0x35: {  	_ =	swait.ge [sflag:s4], $0x2000  }
0x36: {  	[sflag:s4] =	ssyncset.done $0x0  }
0x37: {  	[sflag:s4] =	ssyncadd.s32 $0xFFFFE000  }
0x38: {  	[tilespmem:s6], [sflag:$0x1] =	stream.indirect.gather [hbm4b:s7+s12], $0x40, s26, s12, $0xb8;
	[tilespmem:$0x8900] =	vst v63  }
0x39: {  	_ =	swait.ge [sflag:s9], $0x2000  }
0x3a: {  	[sflag:s9] =	ssyncset.done $0x0  }
0x3b: {  	s0 =	rddreg [dreg:$0x5];
	[sflag:s9] =	ssyncadd.s32 $0xFFFFE000  }
0x3c: {  	[hbm4b:s0+s2] =	stream.linear.scatter [tilespmem:s11], [sflag:$0x2], $0x2000, $0x38;
	[tilespmem:$0x8900] =	vst v63  }
0x3d: {  	_ =	swait.ge [sflag:s4], $0x2000  }
0x3e: {  	[sflag:s4] =	ssyncset.done $0x0  }
0x3f: {  	[sflag:s4] =	ssyncadd.s32 $0xFFFFE000  }
0x40: {  	[tilespmem:s11], [sflag:$0x1] =	stream.indirect.gather [hbm4b:s7+s12], $0x40, s25, s12, $0xb8;
	[tilespmem:$0x8900] =	vst v63  }
0x41: {  	_ =	swait.ge [sflag:s9], $0x2000  }
0x42: {  	[sflag:s9] =	ssyncset.done $0x0  }
0x43: {  	s0 =	rddreg [dreg:$0x6];
	[sflag:s9] =	ssyncadd.s32 $0xFFFFE000  }
0x44: {  	[hbm4b:s0+s2] =	stream.linear.scatter [tilespmem:s10], [sflag:$0x2], $0x2000, $0x38;
	[tilespmem:$0x8900] =	vst v63  }
0x45: {  	_ =	swait.ge [sflag:s4], $0x2000  }
0x46: {  	[sflag:s4] =	ssyncset.done $0x0  }
0x47: {  	[sflag:s4] =	ssyncadd.s32 $0xFFFFE000  }
0x48: {  	[tilespmem:s10], [sflag:$0x1] =	stream.indirect.gather [hbm4b:s7+s12], $0x40, s24, s12, $0xb8;
	[tilespmem:$0x8900] =	vst v63  }
0x49: {  	_ =	swait.ge [sflag:s9], $0x2000  }
0x4a: {  	[sflag:s9] =	ssyncset.done $0x0  }
0x4b: {  	s0 =	rddreg [dreg:$0x7];
	[sflag:s9] =	ssyncadd.s32 $0xFFFFE000  }
0x4c: {  	[hbm4b:s0+s2] =	stream.linear.scatter [tilespmem:s8], [sflag:$0x2], $0x2000, $0x38;
	[tilespmem:$0x8900] =	vst v63  }
0x4d: {  	_ =	swait.ge [sflag:s4], $0x2000  }
0x4e: {  	[sflag:s4] =	ssyncset.done $0x0  }
0x4f: {  	[sflag:s4] =	ssyncadd.s32 $0xFFFFE000  }
0x50: {  	[tilespmem:s8], [sflag:$0x1] =	stream.indirect.gather [hbm4b:s7+s12], $0x40, s23, s12, $0xb8;
	[tilespmem:$0x8900] =	vst v63  }
0x51: {  	_ =	swait.ge [sflag:s9], $0x2000  }
0x52: {  	[sflag:s9] =	ssyncset.done $0x0  }
0x53: {  	s0 =	rddreg [dreg:$0x8];
	[sflag:s9] =	ssyncadd.s32 $0xFFFFE000  }
0x54: {  	[hbm4b:s0+s2] =	stream.linear.scatter [tilespmem:s6], [sflag:$0x2], $0x2000, $0x38;
	[tilespmem:$0x8900] =	vst v63  }
0x55: {  	_ =	swait.ge [sflag:s4], $0x2000  }
0x56: {  	[sflag:s4] =	ssyncset.done $0x0  }
0x57: {  	[sflag:s4] =	ssyncadd.s32 $0xFFFFE000  }
0x58: {  	[tilespmem:s6], [sflag:$0x1] =	stream.indirect.gather [hbm4b:s7+s12], $0x40, s22, s12, $0xb8;
	[tilespmem:$0x8900] =	vst v63  }
0x59: {  	_ =	swait.ge [sflag:s9], $0x2000  }
0x5a: {  	[sflag:s9] =	ssyncset.done $0x0  }
0x5b: {  	s0 =	rddreg [dreg:$0x9];
	[sflag:s9] =	ssyncadd.s32 $0xFFFFE000  }
0x5c: {  	[hbm4b:s0+s2] =	stream.linear.scatter [tilespmem:s11], [sflag:$0x2], $0x2000, $0x38;
	[tilespmem:$0x8900] =	vst v63  }
0x5d: {  	_ =	swait.ge [sflag:s4], $0x2000  }
0x5e: {  	[sflag:s4] =	ssyncset.done $0x0  }
0x5f: {  	[sflag:s4] =	ssyncadd.s32 $0xFFFFE000  }
0x60: {  	[tilespmem:s11], [sflag:$0x1] =	stream.indirect.gather [hbm4b:s7+s12], $0x40, s20, s12, $0xb8;
	[tilespmem:$0x8900] =	vst v63  }
0x61: {  	_ =	swait.ge [sflag:s9], $0x2000  }
0x62: {  	[sflag:s9] =	ssyncset.done $0x0  }
0x63: {  	s0 =	rddreg [dreg:$0xa];
	[sflag:s9] =	ssyncadd.s32 $0xFFFFE000  }
0x64: {  	[hbm4b:s0+s2] =	stream.linear.scatter [tilespmem:s10], [sflag:$0x2], $0x2000, $0x38;
	[tilespmem:$0x8900] =	vst v63  }
0x65: {  	_ =	swait.ge [sflag:s4], $0x2000  }
0x66: {  	[sflag:s4] =	ssyncset.done $0x0  }
0x67: {  	[sflag:s4] =	ssyncadd.s32 $0xFFFFE000  }
0x68: {  	[tilespmem:s10], [sflag:$0x1] =	stream.indirect.gather [hbm4b:s7+s12], $0x40, s19, s12, $0xb8;
	[tilespmem:$0x8900] =	vst v63  }
0x69: {  	_ =	swait.ge [sflag:s9], $0x2000  }
0x6a: {  	[sflag:s9] =	ssyncset.done $0x0  }
0x6b: {  	s0 =	rddreg [dreg:$0xb];
	[sflag:s9] =	ssyncadd.s32 $0xFFFFE000  }
0x6c: {  	[hbm4b:s0+s2] =	stream.linear.scatter [tilespmem:s8], [sflag:$0x2], $0x2000, $0x38;
	[tilespmem:$0x8900] =	vst v63  }
0x6d: {  	_ =	swait.ge [sflag:s4], $0x2000  }
0x6e: {  	[sflag:s4] =	ssyncset.done $0x0  }
0x6f: {  	[sflag:s4] =	ssyncadd.s32 $0xFFFFE000  }
0x70: {  	[tilespmem:s8], [sflag:$0x1] =	stream.indirect.gather [hbm4b:s7+s12], $0x40, s18, s12, $0xb8;
	[tilespmem:$0x8900] =	vst v63  }
0x71: {  	_ =	swait.ge [sflag:s9], $0x2000  }
0x72: {  	[sflag:s9] =	ssyncset.done $0x0  }
0x73: {  	s0 =	rddreg [dreg:$0xc];
	[sflag:s9] =	ssyncadd.s32 $0xFFFFE000  }
0x74: {  	[hbm4b:s0+s2] =	stream.linear.scatter [tilespmem:s6], [sflag:$0x2], $0x2000, $0x38;
	[tilespmem:$0x8900] =	vst v63  }
0x75: {  	_ =	swait.ge [sflag:s4], $0x2000  }
0x76: {  	[sflag:s4] =	ssyncset.done $0x0  }
0x77: {  	[sflag:s4] =	ssyncadd.s32 $0xFFFFE000  }
0x78: {  	[tilespmem:s6], [sflag:$0x1] =	stream.indirect.gather [hbm4b:s7+s12], $0x40, s17, s12, $0xb8;
	[tilespmem:$0x8900] =	vst v63  }
0x79: {  	_ =	swait.ge [sflag:s9], $0x2000  }
0x7a: {  	[sflag:s9] =	ssyncset.done $0x0  }
0x7b: {  	s0 =	rddreg [dreg:$0xd];
	[sflag:s9] =	ssyncadd.s32 $0xFFFFE000  }
0x7c: {  	[hbm4b:s0+s2] =	stream.linear.scatter [tilespmem:s11], [sflag:$0x2], $0x2000, $0x38;
	[tilespmem:$0x8900] =	vst v63  }
0x7d: {  	_ =	swait.ge [sflag:s4], $0x2000  }
0x7e: {  	[sflag:s4] =	ssyncset.done $0x0  }
0x7f: {  	[sflag:s4] =	ssyncadd.s32 $0xFFFFE000  }
0x80: {  	[tilespmem:s11], [sflag:$0x1] =	stream.indirect.gather [hbm4b:s7+s12], $0x40, s16, s12, $0xb8;
	[tilespmem:$0x8900] =	vst v63  }
0x81: {  	_ =	swait.ge [sflag:s9], $0x2000  }
0x82: {  	[sflag:s9] =	ssyncset.done $0x0  }
0x83: {  	s0 =	rddreg [dreg:$0xe];
	[sflag:s9] =	ssyncadd.s32 $0xFFFFE000  }
0x84: {  	[hbm4b:s0+s2] =	stream.linear.scatter [tilespmem:s10], [sflag:$0x2], $0x2000, $0x38;
	[tilespmem:$0x8900] =	vst v63  }
0x85: {  	_ =	swait.ge [sflag:s4], $0x2000  }
0x86: {  	[sflag:s4] =	ssyncset.done $0x0  }
0x87: {  	[sflag:s4] =	ssyncadd.s32 $0xFFFFE000  }
0x88: {  	[tilespmem:s10], [sflag:$0x1] =	stream.indirect.gather [hbm4b:s7+s12], $0x40, s15, s12, $0xb8;
	[tilespmem:$0x8900] =	vst v63  }
0x89: {  	_ =	swait.ge [sflag:s9], $0x2000  }
0x8a: {  	[sflag:s9] =	ssyncset.done $0x0  }
0x8b: {  	s0 =	rddreg [dreg:$0xf];
	[sflag:s9] =	ssyncadd.s32 $0xFFFFE000  }
0x8c: {  	[hbm4b:s0+s2] =	stream.linear.scatter [tilespmem:s8], [sflag:$0x2], $0x2000, $0x38;
	[tilespmem:$0x8900] =	vst v63  }
0x8d: {  	_ =	swait.ge [sflag:s4], $0x2000  }
0x8e: {  	[sflag:s4] =	ssyncset.done $0x0  }
0x8f: {  	[sflag:s4] =	ssyncadd.s32 $0xFFFFE000  }
0x90: {  	[tilespmem:s8], [sflag:$0x1] =	stream.indirect.gather [hbm4b:s7+s12], $0x40, s14, s12, $0xb8;
	[tilespmem:$0x8900] =	vst v63  }
0x91: {  	_ =	swait.ge [sflag:s9], $0x2000  }
0x92: {  	[sflag:s9] =	ssyncset.done $0x0  }
0x93: {  	s0 =	rddreg [dreg:$0x10];
	[sflag:s9] =	ssyncadd.s32 $0xFFFFE000  }
0x94: {  	[hbm4b:s0+s2] =	stream.linear.scatter [tilespmem:s6], [sflag:$0x2], $0x2000, $0x38;
	[tilespmem:$0x8900] =	vst v63  }
0x95: {  	_ =	swait.ge [sflag:s4], $0x2000  }
0x96: {  	[sflag:s4] =	ssyncset.done $0x0  }
0x97: {  	[sflag:s4] =	ssyncadd.s32 $0xFFFFE000  }
0x98: {  	[tilespmem:s6], [sflag:$0x1] =	stream.indirect.gather [hbm4b:s7+s12], $0x40, s13, s12, $0xb8;
	[tilespmem:$0x8900] =	vst v63  }
0x99: {  	_ =	swait.ge [sflag:s9], $0x2000  }
0x9a: {  	[sflag:s9] =	ssyncset.done $0x0  }
0x9b: {  	s0 =	rddreg [dreg:$0x11];
	[sflag:s9] =	ssyncadd.s32 $0xFFFFE000  }
0x9c: {  	[hbm4b:s0+s2] =	stream.linear.scatter [tilespmem:s11], [sflag:$0x2], $0x2000, $0x38;
	[tilespmem:$0x8900] =	vst v63  }
0x9d: {  	_ =	swait.ge [sflag:s9], $0x2000  }
0x9e: {  	[sflag:s9] =	ssyncset.done $0x0  }
0x9f: {  	s0 =	rddreg [dreg:$0x12];
	[sflag:s9] =	ssyncadd.s32 $0xFFFFE000  }
0xa0: {  	[hbm4b:s0+s2] =	stream.linear.scatter [tilespmem:s10], [sflag:$0x2], $0x2000, $0x38;
	[tilespmem:$0x8900] =	vst v63  }
0xa1: {  	_ =	swait.ge [sflag:s9], $0x2000  }
0xa2: {  	[sflag:s9] =	ssyncset.done $0x0  }
0xa3: {  	[sflag:s9] =	ssyncadd.s32 $0xFFFFE000  }
0xa4: {  	[hbm4b:s5+s2] =	stream.linear.scatter [tilespmem:s8], [sflag:$0x2], $0x2000, $0x38;
	[tilespmem:$0x8900] =	vst v63  }
0xa5: {  	_ =	swait.ge [sflag:s9], $0x2000  }
0xa6: {  	[sflag:s9] =	ssyncset.done $0x0  }
0xa7: {  	[sflag:s9] =	ssyncadd.s32 $0xFFFFE000  }
0xa8: {  	[hbm4b:s3+s2] =	stream.linear.scatter [tilespmem:s6], [sflag:$0x2], $0x2000, $0x38;
	[tilespmem:$0x8900] =	vst v63  }
0xa9: {  	_ =	swait.ge [sflag:s4], $0x2000  }
0xaa: {  	[sflag:s4] =	ssyncset.done $0x0  }
0xab: {  	p1 =	sne.s32 s1, $0x1;
	[sflag:s4] =	ssyncadd.s32 $0xFFFFE000  }
.Ltmp1:
0xac: {  	_ =	swait.ge [sflag:s4], $0x2000;
	(pc) =	sbr.rel @!p1 .LBB2_3-.Ltmp1, $4  }
0xad: {  	[sflag:s4] =	ssyncset.done $0x0  }
0xae: {  	[sflag:s4] =	ssyncadd.s32 $0xFFFFE000  }
0xaf: {  	s1 =	sadd.s32 $0xFFFFFFFF, s1;
	_ =	swait.ge [sflag:s4], $0x2000  }
0xb0: {  	p0 =	por $0x1, $0x1;
	s0 =	rddreg [dreg:$0x3];
	[sflag:s4] =	ssyncset.done $0x0  }
.LBB2_2:
0xb1: {  	[sflag:s4] =	ssyncadd.s32 $0xFFFFE000  }
0xb2: {  	[tilespmem:s2], [sflag:$0x3] =	stream.linear.gather [hbm4b:s0+s2], $0x900, $0x38;
	[tilespmem:$0x8900] =	vst v63  }
0xb3: {  	_ =	swait.ge [sflag:s29], $0x900  }
0xb4: {  	[sflag:s29] =	ssyncset.done $0x0  }
0xb5: {  	[sflag:s29] =	ssyncadd.s32 $0xFFFFF700  }
0xb6: {  	[tilespmem:s8], [sflag:$0x1] =	stream.indirect.gather [hbm4b:s7+s12], $0x40, s2, s12, $0xb8;
	[tilespmem:$0x8900] =	vst v63  }
0xb7: {  	_ = 	snop  }
0xb8: {  	[tilespmem:s6], [sflag:$0x1] =	stream.indirect.gather [hbm4b:s7+s12], $0x40, s12, s12, $0xb8;
	[tilespmem:$0x8900] =	vst v63  }
0xb9: {  	_ = 	snop  }
0xba: {  	[tilespmem:s11], [sflag:$0x1] =	stream.indirect.gather [hbm4b:s7+s12], $0x40, s30, s12, $0xb8;
	[tilespmem:$0x8900] =	vst v63  }
0xbb: {  	_ = 	snop  }
0xbc: {  	[tilespmem:s10], [sflag:$0x1] =	stream.indirect.gather [hbm4b:s7+s12], $0x40, s31, s12, $0xb8;
	[tilespmem:$0x8900] =	vst v63  }
0xbd: {  	_ =	swait.ge [sflag:s9], $0x2000  }
0xbe: {  	[sflag:s9] =	ssyncset.done $0x0  }
0xbf: {  	[sflag:s9] =	ssyncadd.s32 $0xFFFFE000  }
0xc0: {  	[hbm4b:s21+s2] =	stream.linear.scatter [tilespmem:s8], [sflag:$0x2], $0x2000, $0x38;
	[tilespmem:$0x8900] =	vst v63  }
0xc1: {  	_ =	swait.ge [sflag:s4], $0x2000  }
0xc2: {  	[sflag:s4] =	ssyncset.done $0x0  }
0xc3: {  	[sflag:s4] =	ssyncadd.s32 $0xFFFFE000  }
0xc4: {  	[tilespmem:s8], [sflag:$0x1] =	stream.indirect.gather [hbm4b:s7+s12], $0x40, s28, s12, $0xb8;
	[tilespmem:$0x8900] =	vst v63  }
0xc5: {  	_ =	swait.ge [sflag:s9], $0x2000  }
0xc6: {  	[sflag:s9] =	ssyncset.done $0x0  }
0xc7: {  	s0 =	rddreg [dreg:$0x4];
	[sflag:s9] =	ssyncadd.s32 $0xFFFFE000  }
0xc8: {  	[hbm4b:s0+s2] =	stream.linear.scatter [tilespmem:s6], [sflag:$0x2], $0x2000, $0x38;
	[tilespmem:$0x8900] =	vst v63  }
0xc9: {  	_ =	swait.ge [sflag:s4], $0x2000  }
0xca: {  	[sflag:s4] =	ssyncset.done $0x0  }
0xcb: {  	[sflag:s4] =	ssyncadd.s32 $0xFFFFE000  }
0xcc: {  	[tilespmem:s6], [sflag:$0x1] =	stream.indirect.gather [hbm4b:s7+s12], $0x40, s26, s12, $0xb8;
	[tilespmem:$0x8900] =	vst v63  }
0xcd: {  	_ =	swait.ge [sflag:s9], $0x2000  }
0xce: {  	[sflag:s9] =	ssyncset.done $0x0  }
0xcf: {  	s0 =	rddreg [dreg:$0x5];
	[sflag:s9] =	ssyncadd.s32 $0xFFFFE000  }
0xd0: {  	[hbm4b:s0+s2] =	stream.linear.scatter [tilespmem:s11], [sflag:$0x2], $0x2000, $0x38;
	[tilespmem:$0x8900] =	vst v63  }
0xd1: {  	_ =	swait.ge [sflag:s4], $0x2000  }
0xd2: {  	[sflag:s4] =	ssyncset.done $0x0  }
0xd3: {  	[sflag:s4] =	ssyncadd.s32 $0xFFFFE000  }
0xd4: {  	[tilespmem:s11], [sflag:$0x1] =	stream.indirect.gather [hbm4b:s7+s12], $0x40, s25, s12, $0xb8;
	[tilespmem:$0x8900] =	vst v63  }
0xd5: {  	_ =	swait.ge [sflag:s9], $0x2000  }
0xd6: {  	[sflag:s9] =	ssyncset.done $0x0  }
0xd7: {  	s0 =	rddreg [dreg:$0x6];
	[sflag:s9] =	ssyncadd.s32 $0xFFFFE000  }
0xd8: {  	[hbm4b:s0+s2] =	stream.linear.scatter [tilespmem:s10], [sflag:$0x2], $0x2000, $0x38;
	[tilespmem:$0x8900] =	vst v63  }
0xd9: {  	_ =	swait.ge [sflag:s4], $0x2000  }
0xda: {  	[sflag:s4] =	ssyncset.done $0x0  }
0xdb: {  	[sflag:s4] =	ssyncadd.s32 $0xFFFFE000  }
0xdc: {  	[tilespmem:s10], [sflag:$0x1] =	stream.indirect.gather [hbm4b:s7+s12], $0x40, s24, s12, $0xb8;
	[tilespmem:$0x8900] =	vst v63  }
0xdd: {  	_ =	swait.ge [sflag:s9], $0x2000  }
0xde: {  	[sflag:s9] =	ssyncset.done $0x0  }
0xdf: {  	s0 =	rddreg [dreg:$0x7];
	[sflag:s9] =	ssyncadd.s32 $0xFFFFE000  }
0xe0: {  	[hbm4b:s0+s2] =	stream.linear.scatter [tilespmem:s8], [sflag:$0x2], $0x2000, $0x38;
	[tilespmem:$0x8900] =	vst v63  }
0xe1: {  	_ =	swait.ge [sflag:s4], $0x2000  }
0xe2: {  	[sflag:s4] =	ssyncset.done $0x0  }
0xe3: {  	[sflag:s4] =	ssyncadd.s32 $0xFFFFE000  }
0xe4: {  	[tilespmem:s8], [sflag:$0x1] =	stream.indirect.gather [hbm4b:s7+s12], $0x40, s23, s12, $0xb8;
	[tilespmem:$0x8900] =	vst v63  }
0xe5: {  	_ =	swait.ge [sflag:s9], $0x2000  }
0xe6: {  	[sflag:s9] =	ssyncset.done $0x0  }
0xe7: {  	s0 =	rddreg [dreg:$0x8];
	[sflag:s9] =	ssyncadd.s32 $0xFFFFE000  }
0xe8: {  	[hbm4b:s0+s2] =	stream.linear.scatter [tilespmem:s6], [sflag:$0x2], $0x2000, $0x38;
	[tilespmem:$0x8900] =	vst v63  }
0xe9: {  	_ =	swait.ge [sflag:s4], $0x2000  }
0xea: {  	[sflag:s4] =	ssyncset.done $0x0  }
0xeb: {  	[sflag:s4] =	ssyncadd.s32 $0xFFFFE000  }
0xec: {  	[tilespmem:s6], [sflag:$0x1] =	stream.indirect.gather [hbm4b:s7+s12], $0x40, s22, s12, $0xb8;
	[tilespmem:$0x8900] =	vst v63  }
0xed: {  	_ =	swait.ge [sflag:s9], $0x2000  }
0xee: {  	[sflag:s9] =	ssyncset.done $0x0  }
0xef: {  	s0 =	rddreg [dreg:$0x9];
	[sflag:s9] =	ssyncadd.s32 $0xFFFFE000  }
0xf0: {  	[hbm4b:s0+s2] =	stream.linear.scatter [tilespmem:s11], [sflag:$0x2], $0x2000, $0x38;
	[tilespmem:$0x8900] =	vst v63  }
0xf1: {  	_ =	swait.ge [sflag:s4], $0x2000  }
0xf2: {  	[sflag:s4] =	ssyncset.done $0x0  }
0xf3: {  	[sflag:s4] =	ssyncadd.s32 $0xFFFFE000  }
0xf4: {  	[tilespmem:s11], [sflag:$0x1] =	stream.indirect.gather [hbm4b:s7+s12], $0x40, s20, s12, $0xb8;
	[tilespmem:$0x8900] =	vst v63  }
0xf5: {  	_ =	swait.ge [sflag:s9], $0x2000  }
0xf6: {  	[sflag:s9] =	ssyncset.done $0x0  }
0xf7: {  	s0 =	rddreg [dreg:$0xa];
	[sflag:s9] =	ssyncadd.s32 $0xFFFFE000  }
0xf8: {  	[hbm4b:s0+s2] =	stream.linear.scatter [tilespmem:s10], [sflag:$0x2], $0x2000, $0x38;
	[tilespmem:$0x8900] =	vst v63  }
0xf9: {  	_ =	swait.ge [sflag:s4], $0x2000  }
0xfa: {  	[sflag:s4] =	ssyncset.done $0x0  }
0xfb: {  	[sflag:s4] =	ssyncadd.s32 $0xFFFFE000  }
0xfc: {  	[tilespmem:s10], [sflag:$0x1] =	stream.indirect.gather [hbm4b:s7+s12], $0x40, s19, s12, $0xb8;
	[tilespmem:$0x8900] =	vst v63  }
0xfd: {  	_ =	swait.ge [sflag:s9], $0x2000  }
0xfe: {  	[sflag:s9] =	ssyncset.done $0x0  }
0xff: {  	s0 =	rddreg [dreg:$0xb];
	[sflag:s9] =	ssyncadd.s32 $0xFFFFE000  }
0x100: {  	[hbm4b:s0+s2] =	stream.linear.scatter [tilespmem:s8], [sflag:$0x2], $0x2000, $0x38;
	[tilespmem:$0x8900] =	vst v63  }
0x101: {  	_ =	swait.ge [sflag:s4], $0x2000  }
0x102: {  	[sflag:s4] =	ssyncset.done $0x0  }
0x103: {  	[sflag:s4] =	ssyncadd.s32 $0xFFFFE000  }
0x104: {  	[tilespmem:s8], [sflag:$0x1] =	stream.indirect.gather [hbm4b:s7+s12], $0x40, s18, s12, $0xb8;
	[tilespmem:$0x8900] =	vst v63  }
0x105: {  	_ =	swait.ge [sflag:s9], $0x2000  }
0x106: {  	[sflag:s9] =	ssyncset.done $0x0  }
0x107: {  	s0 =	rddreg [dreg:$0xc];
	[sflag:s9] =	ssyncadd.s32 $0xFFFFE000  }
0x108: {  	[hbm4b:s0+s2] =	stream.linear.scatter [tilespmem:s6], [sflag:$0x2], $0x2000, $0x38;
	[tilespmem:$0x8900] =	vst v63  }
0x109: {  	_ =	swait.ge [sflag:s4], $0x2000  }
0x10a: {  	[sflag:s4] =	ssyncset.done $0x0  }
0x10b: {  	[sflag:s4] =	ssyncadd.s32 $0xFFFFE000  }
0x10c: {  	[tilespmem:s6], [sflag:$0x1] =	stream.indirect.gather [hbm4b:s7+s12], $0x40, s17, s12, $0xb8;
	[tilespmem:$0x8900] =	vst v63  }
0x10d: {  	_ =	swait.ge [sflag:s9], $0x2000  }
0x10e: {  	[sflag:s9] =	ssyncset.done $0x0  }
0x10f: {  	s0 =	rddreg [dreg:$0xd];
	[sflag:s9] =	ssyncadd.s32 $0xFFFFE000  }
0x110: {  	[hbm4b:s0+s2] =	stream.linear.scatter [tilespmem:s11], [sflag:$0x2], $0x2000, $0x38;
	[tilespmem:$0x8900] =	vst v63  }
0x111: {  	_ =	swait.ge [sflag:s4], $0x2000  }
0x112: {  	[sflag:s4] =	ssyncset.done $0x0  }
0x113: {  	[sflag:s4] =	ssyncadd.s32 $0xFFFFE000  }
0x114: {  	[tilespmem:s11], [sflag:$0x1] =	stream.indirect.gather [hbm4b:s7+s12], $0x40, s16, s12, $0xb8;
	[tilespmem:$0x8900] =	vst v63  }
0x115: {  	_ =	swait.ge [sflag:s9], $0x2000  }
0x116: {  	[sflag:s9] =	ssyncset.done $0x0  }
0x117: {  	s0 =	rddreg [dreg:$0xe];
	[sflag:s9] =	ssyncadd.s32 $0xFFFFE000  }
0x118: {  	[hbm4b:s0+s2] =	stream.linear.scatter [tilespmem:s10], [sflag:$0x2], $0x2000, $0x38;
	[tilespmem:$0x8900] =	vst v63  }
0x119: {  	_ =	swait.ge [sflag:s4], $0x2000  }
0x11a: {  	[sflag:s4] =	ssyncset.done $0x0  }
0x11b: {  	[sflag:s4] =	ssyncadd.s32 $0xFFFFE000  }
0x11c: {  	[tilespmem:s10], [sflag:$0x1] =	stream.indirect.gather [hbm4b:s7+s12], $0x40, s15, s12, $0xb8;
	[tilespmem:$0x8900] =	vst v63  }
0x11d: {  	_ =	swait.ge [sflag:s9], $0x2000  }
0x11e: {  	[sflag:s9] =	ssyncset.done $0x0  }
0x11f: {  	s0 =	rddreg [dreg:$0xf];
	[sflag:s9] =	ssyncadd.s32 $0xFFFFE000  }
0x120: {  	[hbm4b:s0+s2] =	stream.linear.scatter [tilespmem:s8], [sflag:$0x2], $0x2000, $0x38;
	[tilespmem:$0x8900] =	vst v63  }
0x121: {  	_ =	swait.ge [sflag:s4], $0x2000  }
0x122: {  	[sflag:s4] =	ssyncset.done $0x0  }
0x123: {  	[sflag:s4] =	ssyncadd.s32 $0xFFFFE000  }
0x124: {  	[tilespmem:s8], [sflag:$0x1] =	stream.indirect.gather [hbm4b:s7+s12], $0x40, s14, s12, $0xb8;
	[tilespmem:$0x8900] =	vst v63  }
0x125: {  	_ =	swait.ge [sflag:s9], $0x2000  }
0x126: {  	[sflag:s9] =	ssyncset.done $0x0  }
0x127: {  	s0 =	rddreg [dreg:$0x10];
	[sflag:s9] =	ssyncadd.s32 $0xFFFFE000  }
0x128: {  	[hbm4b:s0+s2] =	stream.linear.scatter [tilespmem:s6], [sflag:$0x2], $0x2000, $0x38;
	[tilespmem:$0x8900] =	vst v63  }
0x129: {  	_ =	swait.ge [sflag:s4], $0x2000  }
0x12a: {  	[sflag:s4] =	ssyncset.done $0x0  }
0x12b: {  	[sflag:s4] =	ssyncadd.s32 $0xFFFFE000  }
0x12c: {  	[tilespmem:s6], [sflag:$0x1] =	stream.indirect.gather [hbm4b:s7+s12], $0x40, s13, s12, $0xb8;
	[tilespmem:$0x8900] =	vst v63  }
0x12d: {  	_ =	swait.ge [sflag:s9], $0x2000  }
0x12e: {  	[sflag:s9] =	ssyncset.done $0x0  }
0x12f: {  	s0 =	rddreg [dreg:$0x11];
	[sflag:s9] =	ssyncadd.s32 $0xFFFFE000  }
0x130: {  	[hbm4b:s0+s2] =	stream.linear.scatter [tilespmem:s11], [sflag:$0x2], $0x2000, $0x38;
	[tilespmem:$0x8900] =	vst v63  }
0x131: {  	_ =	swait.ge [sflag:s9], $0x2000  }
0x132: {  	[sflag:s9] =	ssyncset.done $0x0  }
0x133: {  	s0 =	rddreg [dreg:$0x12];
	[sflag:s9] =	ssyncadd.s32 $0xFFFFE000  }
0x134: {  	[hbm4b:s0+s2] =	stream.linear.scatter [tilespmem:s10], [sflag:$0x2], $0x2000, $0x38;
	[tilespmem:$0x8900] =	vst v63  }
0x135: {  	_ =	swait.ge [sflag:s9], $0x2000  }
0x136: {  	[sflag:s9] =	ssyncset.done $0x0  }
0x137: {  	[sflag:s9] =	ssyncadd.s32 $0xFFFFE000  }
0x138: {  	[hbm4b:s5+s2] =	stream.linear.scatter [tilespmem:s8], [sflag:$0x2], $0x2000, $0x38;
	[tilespmem:$0x8900] =	vst v63  }
0x139: {  	_ =	swait.ge [sflag:s9], $0x2000  }
0x13a: {  	[sflag:s9] =	ssyncset.done $0x0  }
0x13b: {  	[sflag:s9] =	ssyncadd.s32 $0xFFFFE000  }
0x13c: {  	[hbm4b:s3+s2] =	stream.linear.scatter [tilespmem:s6], [sflag:$0x2], $0x2000, $0x38;
	[tilespmem:$0x8900] =	vst v63  }
0x13d: {  	_ =	swait.ge [sflag:s4], $0x2000  }
0x13e: {  	[sflag:s4] =	ssyncset.done $0x0  }
0x13f: {  	p1 =	sne.s32 s1, $0x1;
	[sflag:s4] =	ssyncadd.s32 $0xFFFFE000  }
.Ltmp2:
0x140: {  	_ =	swait.ge [sflag:s4], $0x2000;
	(pc) =	sbr.rel @p1 .LBB2_2-.Ltmp2, $4  }
0x141: {  	[sflag:s4] =	ssyncset.done $0x0  }
0x142: {  	[sflag:s4] =	ssyncadd.s32 $0xFFFFE000  }
0x143: {  	_ =	swait.ge [sflag:s4], $0x2000  }
0x144: {  	s1 =	sadd.s32 $0xFFFFFFFF, s1;
	s0 =	rddreg [dreg:$0x3];
	[sflag:s4] =	ssyncset.done $0x0  }
.LBB2_3:
0x145: {  	[sflag:s4] =	ssyncadd.s32 @p0 $0xFFFFE000  }
0x146: {  	[tilespmem:s2], [sflag:$0x3] =	stream.linear.gather [hbm4b:s0+s2], $0x900, $0x38;
	[tilespmem:$0x8900] =	vst v63  }
0x147: {  	_ =	swait.ge [sflag:s29], $0x900  }
0x148: {  	[sflag:s29] =	ssyncset.done $0x0  }
0x149: {  	[sflag:s29] =	ssyncadd.s32 $0xFFFFF700  }
0x14a: {  	[tilespmem:s8], [sflag:$0x1] =	stream.indirect.gather [hbm4b:s7+s12], $0x40, s2, s12, $0xb8;
	[tilespmem:$0x8900] =	vst v63  }
0x14b: {  	_ = 	snop  }
0x14c: {  	[tilespmem:s6], [sflag:$0x1] =	stream.indirect.gather [hbm4b:s7+s12], $0x40, s12, s12, $0xb8;
	[tilespmem:$0x8900] =	vst v63  }
0x14d: {  	_ = 	snop  }
0x14e: {  	[tilespmem:s11], [sflag:$0x1] =	stream.indirect.gather [hbm4b:s7+s12], $0x40, s30, s12, $0xb8;
	[tilespmem:$0x8900] =	vst v63  }
0x14f: {  	_ = 	snop  }
0x150: {  	[tilespmem:s10], [sflag:$0x1] =	stream.indirect.gather [hbm4b:s7+s12], $0x40, s31, s12, $0xb8;
	[tilespmem:$0x8900] =	vst v63  }
0x151: {  	_ =	swait.ge [sflag:s9], $0x2000  }
0x152: {  	[sflag:s9] =	ssyncset.done $0x0  }
0x153: {  	[sflag:s9] =	ssyncadd.s32 $0xFFFFE000  }
0x154: {  	[hbm4b:s21+s2] =	stream.linear.scatter [tilespmem:s8], [sflag:$0x2], $0x2000, $0x38;
	[tilespmem:$0x8900] =	vst v63  }
0x155: {  	_ =	swait.ge [sflag:s4], $0x2000  }
0x156: {  	[sflag:s4] =	ssyncset.done $0x0  }
0x157: {  	[sflag:s4] =	ssyncadd.s32 $0xFFFFE000  }
0x158: {  	[tilespmem:s8], [sflag:$0x1] =	stream.indirect.gather [hbm4b:s7+s12], $0x40, s28, s12, $0xb8;
	[tilespmem:$0x8900] =	vst v63  }
0x159: {  	_ =	swait.ge [sflag:s9], $0x2000  }
0x15a: {  	[sflag:s9] =	ssyncset.done $0x0  }
0x15b: {  	s21 =	rddreg [dreg:$0x4];
	[sflag:s9] =	ssyncadd.s32 $0xFFFFE000  }
0x15c: {  	[hbm4b:s21+s2] =	stream.linear.scatter [tilespmem:s6], [sflag:$0x2], $0x2000, $0x38;
	[tilespmem:$0x8900] =	vst v63  }
0x15d: {  	_ =	swait.ge [sflag:s4], $0x2000  }
0x15e: {  	[sflag:s4] =	ssyncset.done $0x0  }
0x15f: {  	[sflag:s4] =	ssyncadd.s32 $0xFFFFE000  }
0x160: {  	[tilespmem:s6], [sflag:$0x1] =	stream.indirect.gather [hbm4b:s7+s12], $0x40, s26, s12, $0xb8;
	[tilespmem:$0x8900] =	vst v63  }
0x161: {  	_ =	swait.ge [sflag:s9], $0x2000  }
0x162: {  	[sflag:s9] =	ssyncset.done $0x0  }
0x163: {  	s28 =	rddreg [dreg:$0x5];
	[sflag:s9] =	ssyncadd.s32 $0xFFFFE000  }
0x164: {  	[hbm4b:s28+s2] =	stream.linear.scatter [tilespmem:s11], [sflag:$0x2], $0x2000, $0x38;
	[tilespmem:$0x8900] =	vst v63  }
0x165: {  	_ =	swait.ge [sflag:s4], $0x2000  }
0x166: {  	[sflag:s4] =	ssyncset.done $0x0  }
0x167: {  	[sflag:s4] =	ssyncadd.s32 $0xFFFFE000  }
0x168: {  	[tilespmem:s11], [sflag:$0x1] =	stream.indirect.gather [hbm4b:s7+s12], $0x40, s25, s12, $0xb8;
	[tilespmem:$0x8900] =	vst v63  }
0x169: {  	_ =	swait.ge [sflag:s9], $0x2000  }
0x16a: {  	[sflag:s9] =	ssyncset.done $0x0  }
0x16b: {  	s29 =	rddreg [dreg:$0x6];
	[sflag:s9] =	ssyncadd.s32 $0xFFFFE000  }
0x16c: {  	[hbm4b:s29+s2] =	stream.linear.scatter [tilespmem:s10], [sflag:$0x2], $0x2000, $0x38;
	[tilespmem:$0x8900] =	vst v63  }
0x16d: {  	_ =	swait.ge [sflag:s4], $0x2000  }
0x16e: {  	[sflag:s4] =	ssyncset.done $0x0  }
0x16f: {  	[sflag:s4] =	ssyncadd.s32 $0xFFFFE000  }
0x170: {  	[tilespmem:s10], [sflag:$0x1] =	stream.indirect.gather [hbm4b:s7+s12], $0x40, s24, s12, $0xb8;
	[tilespmem:$0x8900] =	vst v63  }
0x171: {  	_ =	swait.ge [sflag:s9], $0x2000  }
0x172: {  	[sflag:s9] =	ssyncset.done $0x0  }
0x173: {  	s30 =	rddreg [dreg:$0x7];
	[sflag:s9] =	ssyncadd.s32 $0xFFFFE000  }
0x174: {  	[hbm4b:s30+s2] =	stream.linear.scatter [tilespmem:s8], [sflag:$0x2], $0x2000, $0x38;
	[tilespmem:$0x8900] =	vst v63  }
0x175: {  	_ =	swait.ge [sflag:s4], $0x2000  }
0x176: {  	[sflag:s4] =	ssyncset.done $0x0  }
0x177: {  	[sflag:s4] =	ssyncadd.s32 $0xFFFFE000  }
0x178: {  	[tilespmem:s8], [sflag:$0x1] =	stream.indirect.gather [hbm4b:s7+s12], $0x40, s23, s12, $0xb8;
	[tilespmem:$0x8900] =	vst v63  }
0x179: {  	_ =	swait.ge [sflag:s9], $0x2000  }
0x17a: {  	[sflag:s9] =	ssyncset.done $0x0  }
0x17b: {  	s31 =	rddreg [dreg:$0x8];
	[sflag:s9] =	ssyncadd.s32 $0xFFFFE000  }
0x17c: {  	[hbm4b:s31+s2] =	stream.linear.scatter [tilespmem:s6], [sflag:$0x2], $0x2000, $0x38;
	[tilespmem:$0x8900] =	vst v63  }
0x17d: {  	_ =	swait.ge [sflag:s4], $0x2000  }
0x17e: {  	[sflag:s4] =	ssyncset.done $0x0  }
0x17f: {  	[sflag:s4] =	ssyncadd.s32 $0xFFFFE000  }
0x180: {  	[tilespmem:s6], [sflag:$0x1] =	stream.indirect.gather [hbm4b:s7+s12], $0x40, s22, s12, $0xb8;
	[tilespmem:$0x8900] =	vst v63  }
0x181: {  	_ =	swait.ge [sflag:s9], $0x2000  }
0x182: {  	[sflag:s9] =	ssyncset.done $0x0  }
0x183: {  	s1 =	rddreg [dreg:$0x9];
	[sflag:s9] =	ssyncadd.s32 $0xFFFFE000  }
0x184: {  	[hbm4b:s1+s2] =	stream.linear.scatter [tilespmem:s11], [sflag:$0x2], $0x2000, $0x38;
	[tilespmem:$0x8900] =	vst v63  }
0x185: {  	_ =	swait.ge [sflag:s4], $0x2000  }
0x186: {  	[sflag:s4] =	ssyncset.done $0x0  }
0x187: {  	[sflag:s4] =	ssyncadd.s32 $0xFFFFE000  }
0x188: {  	[tilespmem:s11], [sflag:$0x1] =	stream.indirect.gather [hbm4b:s7+s12], $0x40, s20, s12, $0xb8;
	[tilespmem:$0x8900] =	vst v63  }
0x189: {  	_ =	swait.ge [sflag:s9], $0x2000  }
0x18a: {  	[sflag:s9] =	ssyncset.done $0x0  }
0x18b: {  	s21 =	rddreg [dreg:$0xa];
	[sflag:s9] =	ssyncadd.s32 $0xFFFFE000  }
0x18c: {  	[hbm4b:s21+s2] =	stream.linear.scatter [tilespmem:s10], [sflag:$0x2], $0x2000, $0x38;
	[tilespmem:$0x8900] =	vst v63  }
0x18d: {  	_ =	swait.ge [sflag:s4], $0x2000  }
0x18e: {  	[sflag:s4] =	ssyncset.done $0x0  }
0x18f: {  	[sflag:s4] =	ssyncadd.s32 $0xFFFFE000  }
0x190: {  	[tilespmem:s10], [sflag:$0x1] =	stream.indirect.gather [hbm4b:s7+s12], $0x40, s19, s12, $0xb8;
	[tilespmem:$0x8900] =	vst v63  }
0x191: {  	_ =	swait.ge [sflag:s9], $0x2000  }
0x192: {  	[sflag:s9] =	ssyncset.done $0x0  }
0x193: {  	s22 =	rddreg [dreg:$0xb];
	[sflag:s9] =	ssyncadd.s32 $0xFFFFE000  }
0x194: {  	[hbm4b:s22+s2] =	stream.linear.scatter [tilespmem:s8], [sflag:$0x2], $0x2000, $0x38;
	[tilespmem:$0x8900] =	vst v63  }
0x195: {  	_ =	swait.ge [sflag:s4], $0x2000  }
0x196: {  	[sflag:s4] =	ssyncset.done $0x0  }
0x197: {  	[sflag:s4] =	ssyncadd.s32 $0xFFFFE000  }
0x198: {  	[tilespmem:s8], [sflag:$0x1] =	stream.indirect.gather [hbm4b:s7+s12], $0x40, s18, s12, $0xb8;
	[tilespmem:$0x8900] =	vst v63  }
0x199: {  	_ =	swait.ge [sflag:s9], $0x2000  }
0x19a: {  	[sflag:s9] =	ssyncset.done $0x0  }
0x19b: {  	s23 =	rddreg [dreg:$0xc];
	[sflag:s9] =	ssyncadd.s32 $0xFFFFE000  }
0x19c: {  	[hbm4b:s23+s2] =	stream.linear.scatter [tilespmem:s6], [sflag:$0x2], $0x2000, $0x38;
	[tilespmem:$0x8900] =	vst v63  }
0x19d: {  	_ =	swait.ge [sflag:s4], $0x2000  }
0x19e: {  	[sflag:s4] =	ssyncset.done $0x0  }
0x19f: {  	[sflag:s4] =	ssyncadd.s32 $0xFFFFE000  }
0x1a0: {  	[tilespmem:s6], [sflag:$0x1] =	stream.indirect.gather [hbm4b:s7+s12], $0x40, s17, s12, $0xb8;
	[tilespmem:$0x8900] =	vst v63  }
0x1a1: {  	_ =	swait.ge [sflag:s9], $0x2000  }
0x1a2: {  	[sflag:s9] =	ssyncset.done $0x0  }
0x1a3: {  	s24 =	rddreg [dreg:$0xd];
	[sflag:s9] =	ssyncadd.s32 $0xFFFFE000  }
0x1a4: {  	[hbm4b:s24+s2] =	stream.linear.scatter [tilespmem:s11], [sflag:$0x2], $0x2000, $0x38;
	[tilespmem:$0x8900] =	vst v63  }
0x1a5: {  	_ =	swait.ge [sflag:s4], $0x2000  }
0x1a6: {  	[sflag:s4] =	ssyncset.done $0x0  }
0x1a7: {  	[sflag:s4] =	ssyncadd.s32 $0xFFFFE000  }
0x1a8: {  	[tilespmem:s11], [sflag:$0x1] =	stream.indirect.gather [hbm4b:s7+s12], $0x40, s16, s12, $0xb8;
	[tilespmem:$0x8900] =	vst v63  }
0x1a9: {  	_ =	swait.ge [sflag:s9], $0x2000  }
0x1aa: {  	[sflag:s9] =	ssyncset.done $0x0  }
0x1ab: {  	s25 =	rddreg [dreg:$0xe];
	[sflag:s9] =	ssyncadd.s32 $0xFFFFE000  }
0x1ac: {  	[hbm4b:s25+s2] =	stream.linear.scatter [tilespmem:s10], [sflag:$0x2], $0x2000, $0x38;
	[tilespmem:$0x8900] =	vst v63  }
0x1ad: {  	_ =	swait.ge [sflag:s4], $0x2000  }
0x1ae: {  	[sflag:s4] =	ssyncset.done $0x0  }
0x1af: {  	[sflag:s4] =	ssyncadd.s32 $0xFFFFE000  }
0x1b0: {  	[tilespmem:s10], [sflag:$0x1] =	stream.indirect.gather [hbm4b:s7+s12], $0x40, s15, s12, $0xb8;
	[tilespmem:$0x8900] =	vst v63  }
0x1b1: {  	_ =	swait.ge [sflag:s9], $0x2000  }
0x1b2: {  	[sflag:s9] =	ssyncset.done $0x0  }
0x1b3: {  	s26 =	rddreg [dreg:$0xf];
	[sflag:s9] =	ssyncadd.s32 $0xFFFFE000  }
0x1b4: {  	[hbm4b:s26+s2] =	stream.linear.scatter [tilespmem:s8], [sflag:$0x2], $0x2000, $0x38;
	[tilespmem:$0x8900] =	vst v63  }
0x1b5: {  	_ =	swait.ge [sflag:s4], $0x2000  }
0x1b6: {  	[sflag:s4] =	ssyncset.done $0x0  }
0x1b7: {  	[sflag:s4] =	ssyncadd.s32 $0xFFFFE000  }
0x1b8: {  	[tilespmem:s8], [sflag:$0x1] =	stream.indirect.gather [hbm4b:s7+s12], $0x40, s14, s12, $0xb8;
	[tilespmem:$0x8900] =	vst v63  }
0x1b9: {  	_ =	swait.ge [sflag:s9], $0x2000  }
0x1ba: {  	[sflag:s9] =	ssyncset.done $0x0  }
0x1bb: {  	s28 =	rddreg [dreg:$0x10];
	[sflag:s9] =	ssyncadd.s32 $0xFFFFE000  }
0x1bc: {  	[hbm4b:s28+s2] =	stream.linear.scatter [tilespmem:s6], [sflag:$0x2], $0x2000, $0x38;
	[tilespmem:$0x8900] =	vst v63  }
0x1bd: {  	_ =	swait.ge [sflag:s4], $0x2000  }
0x1be: {  	[sflag:s4] =	ssyncset.done $0x0  }
0x1bf: {  	[sflag:s4] =	ssyncadd.s32 $0xFFFFE000  }
0x1c0: {  	[tilespmem:s6], [sflag:$0x1] =	stream.indirect.gather [hbm4b:s7+s12], $0x40, s13, s12, $0xb8;
	[tilespmem:$0x8900] =	vst v63  }
0x1c1: {  	_ =	swait.ge [sflag:s9], $0x2000  }
0x1c2: {  	[sflag:s9] =	ssyncset.done $0x0  }
0x1c3: {  	s29 =	rddreg [dreg:$0x11];
	[sflag:s9] =	ssyncadd.s32 $0xFFFFE000  }
0x1c4: {  	[hbm4b:s29+s2] =	stream.linear.scatter [tilespmem:s11], [sflag:$0x2], $0x2000, $0x38;
	[tilespmem:$0x8900] =	vst v63  }
0x1c5: {  	_ =	swait.ge [sflag:s9], $0x2000  }
0x1c6: {  	[sflag:s9] =	ssyncset.done $0x0  }
0x1c7: {  	s30 =	rddreg [dreg:$0x12];
	[sflag:s9] =	ssyncadd.s32 $0xFFFFE000  }
0x1c8: {  	[hbm4b:s30+s2] =	stream.linear.scatter [tilespmem:s10], [sflag:$0x2], $0x2000, $0x38;
	[tilespmem:$0x8900] =	vst v63  }
0x1c9: {  	_ =	swait.ge [sflag:s9], $0x2000  }
0x1ca: {  	[sflag:s9] =	ssyncset.done $0x0  }
0x1cb: {  	[sflag:s9] =	ssyncadd.s32 $0xFFFFE000  }
0x1cc: {  	[hbm4b:s5+s2] =	stream.linear.scatter [tilespmem:s8], [sflag:$0x2], $0x2000, $0x38;
	[tilespmem:$0x8900] =	vst v63  }
0x1cd: {  	_ =	swait.ge [sflag:s9], $0x2000  }
0x1ce: {  	[sflag:s9] =	ssyncset.done $0x0  }
0x1cf: {  	[sflag:s9] =	ssyncadd.s32 $0xFFFFE000  }
0x1d0: {  	[hbm4b:s3+s2] =	stream.linear.scatter [tilespmem:s6], [sflag:$0x2], $0x2000, $0x38;
	[tilespmem:$0x8900] =	vst v63  }
0x1d1: {  	_ =	swait.ge [sflag:s4], $0x2000  }
0x1d2: {  	[sflag:s4] =	ssyncset.done $0x0  }
0x1d3: {  	[sflag:s4] =	ssyncadd.s32 $0xFFFFE000  }
0x1d4: {  	_ =	swait.ge [sflag:s4], $0x2000  }
0x1d5: {  	[sflag:s4] =	ssyncset.done $0x0  }
0x1d6: {  	[sflag:s4] =	ssyncadd.s32 $0xFFFFE000  }
0x1d7: {  	_ =	swait.ge [sflag:s4], $0x2000  }
0x1d8: {  	[sflag:s4] =	ssyncset.done $0x0  }
0x1d9: {  	[sflag:s4] =	ssyncadd.s32 $0xFFFFE000  }
0x1da: {  	_ =	sfence.sel $0x180000  }
0x1db: {  	[bflag:$0x0] =	sbarrier.arrive $0xFFFF  }
0x1dc: {  	_ =	strace $0x90000047  }
0x1dd: {  	s31 =	stileid.u32;
	[bflag:$0x2] =	sbarrier.arrive $0xFFFF  }
0x1de: {  	p0 =	sne.s32 s31, $0x0;
	s0 =	rddreg [dreg:$0x2]  }
0x1df: {  	s0 =	sadd.s32 @!p0 $0x100000, s0  }
0x1e0: {  	[sflag:s0] =	ssyncadd.tile.s32 @!p0 $0x1;
	_ =	shalt  }
.Lfunc_end2:
_tile_overlayer_lowered:
.L_overlay_start_2:
0x1e1: {  	(tag) =	ssettag $0x2  }
0x1e2: {  	s0 =	rddreg [dreg:$0x0];
	s2 =	stileid.u32  }
0x1e3: {  	s1 =	rddreg [dreg:$0x1];
	p0 =	sne.s32 s2, $0x0  }
0x1e4: {  	s3 =	rddreg [dreg:$0x2];
	[bflag:$0x3] =	sbarrier.arrive $0xFFFF;
	s2 =	simm.s32 @!p0 $0x1C03  }
0x1e5: {  	[timem:s3], [sflag:s2] =	dma.local @!p0 [hbm:s0], s1  }
0x1e6: {  	s0 =	simm.s32 @!p0 $0x3  }
0x1e7: {  	_ =	swait.ge @!p0 [sflag:s0], s1  }
0x1e8: {  	s1 =	ssub.s32 @!p0 $0x0, s1;
	[sflag:s0] =	ssyncset.done @!p0 $0x0  }
0x1e9: {  	[sflag:s0] =	ssyncadd.s32 @!p0 s1  }
0x1ea: {  	[bflag:$0x3] =	sbarrier.arrive $0xFFFF  }
0x1eb: {  	_ =	shalt  }

</sc_bundles>
